<compile_context>
chip_gen: v7x
topology: tpu7x:2x2x1
jax: 0.10.2.dev20260603
libtpu: 0.0.44.dev20260713+nightly
codegen_flags: <defaults>
</compile_context>

<pallas_src>
import jax
import jax.numpy as jnp
from jax import lax
from jax.experimental import pallas as pl
from jax.experimental.pallas import tpu as pltpu
from jax.experimental.pallas import tpu_sc as plsc

MEM = 65536
B = 16384
D = 64
NC = 2
NS = 16
NW = NC * NS
BPW = B // NW
LW = 16


def _body(feat_hbm, lab_hbm, keys_hbm, occf_hbm, occl_hbm, bankf_hbm,
          bankl_hbm, idx_v, feat_v, lab_v, labx_v, labg_v, outf_v, outl_v,
          sem):
    wid = lax.axis_index("c") * NS + lax.axis_index("s")
    base = wid * BPW

    stage = [(keys_hbm.at[pl.ds(base, BPW)], idx_v),
             (feat_hbm.at[pl.ds(base, BPW)], feat_v),
             (lab_hbm.at[pl.ds(base, BPW)], lab_v)]
    for src, dst in stage:
        pltpu.async_copy(src, dst, sem)
    for src, dst in stage:
        pltpu.make_async_copy(src, dst, sem).wait()

    col0 = jnp.zeros((16,), jnp.int32)
    for k in range(BPW // 16):
        lv = lab_v[pl.ds(k * 16, 16)]
        rows = lax.iota(jnp.int32, 16) + (k * 16)
        plsc.store_scatter(labx_v, [rows, col0], lv)

    scat = [(feat_v, bankf_hbm.at[idx_v]), (labx_v, bankl_hbm.at[idx_v])]
    for src, dst in scat:
        pltpu.async_copy(src, dst, sem)
    for src, dst in scat:
        pltpu.make_async_copy(src, dst, sem).wait()

    gat = [(bankf_hbm.at[idx_v], outf_v), (bankl_hbm.at[idx_v], labg_v)]
    for src, dst in gat:
        pltpu.async_copy(src, dst, sem)
    for src, dst in gat:
        pltpu.make_async_copy(src, dst, sem).wait()

    for k in range(BPW // 16):
        rows = lax.iota(jnp.int32, 16) + (k * 16)
        lv = plsc.load_gather(labg_v, [rows, col0])
        outl_v[pl.ds(k * 16, 16)] = lv

    outs = [(outf_v, occf_hbm.at[pl.ds(base, BPW)]),
            (outl_v, occl_hbm.at[pl.ds(base, BPW)])]
    for src, dst in outs:
        pltpu.async_copy(src, dst, sem)
    for src, dst in outs:
        pltpu.make_async_copy(src, dst, sem).wait()


def kernel(features, labels, keys):
    run = pl.kernel(
        _body,
        out_type=(
            jax.ShapeDtypeStruct((B, D), features.dtype),
            jax.ShapeDtypeStruct((B,), labels.dtype),
            jax.ShapeDtypeStruct((MEM, D), features.dtype),
            jax.ShapeDtypeStruct((MEM, LW), labels.dtype),
        ),
        mesh=plsc.VectorSubcoreMesh(core_axis_name="c", subcore_axis_name="s"),
        scratch_types=[
            pltpu.VMEM((BPW,), jnp.int32),
            pltpu.VMEM((BPW, D), features.dtype),
            pltpu.VMEM((BPW,), labels.dtype),
            pltpu.VMEM((BPW, LW), labels.dtype),
            pltpu.VMEM((BPW, LW), labels.dtype),
            pltpu.VMEM((BPW, D), features.dtype),
            pltpu.VMEM((BPW,), labels.dtype),
            pltpu.SemaphoreType.DMA,
        ],
        compiler_params=pltpu.CompilerParams(use_tc_tiling_on_sc=False,
                                             needs_layout_passes=False),
    )
    occ_f, occ_l, _, _ = run(features, labels, keys.astype(jnp.int32))
    return occ_f, occ_l

# --- scband reference (transcript-rebuilt; emitter-appended) ---
"""Pipeline reference for scband-xbm-16226386444748 (READ-ONLY COPY).

The authoritative reference and input builder live on the scoring server;
editing this copy changes nothing except your own understanding.
"""

import jax, jax.numpy as jnp
import numpy as np

MEM_SIZE = 65536
BATCH = 16384
DIM = 64


def setup_inputs(seed: int = 0) -> dict:
    key = jax.random.key(seed)
    k1, k2 = jax.random.split(key)
    features = jax.random.normal(k1, (BATCH, DIM), dtype=jnp.float32)
    labels = jax.random.randint(k2, (BATCH,), 0, 1000)
    keys = jnp.arange(BATCH)
    return {"features": features, "labels": labels, "keys": keys}


def reference(features, labels, keys):
    # XBM with unique=True: dict-style keyed memory bank.
    # Modeled as a fixed-size memory array: scatter-overwrite (dict insert/update)
    # followed by a gather of the occupied slots (get_occupied_storage).
    # Keys are unique, so dict semantics == scatter .at[].set semantics and
    # insertion order == key order.
    d = features.shape[1]
    mem_f = jnp.zeros((MEM_SIZE, d), dtype=features.dtype).at[keys].set(features)
    mem_l = jnp.zeros((MEM_SIZE,), dtype=labels.dtype).at[keys].set(labels)
    occ_f = jnp.take(mem_f, keys, axis=0)
    occ_l = jnp.take(mem_l, keys, axis=0)
    return (occ_f, occ_l)

if __name__ == "__main__":
    import jax
    _d = setup_inputs()
    print(jax.jit(kernel)(*tuple(_d.values())))

</pallas_src>

<mosaic_0001>
#map = affine_map<(d0, d1) -> (0, 0)>
#map1 = affine_map<(d0, d1) -> (0)>
module attributes {stable_mosaic.version = 14 : i64} {
  func.func @_body(%arg0: i32, %arg1: i32, %arg2: memref<16384x64xf32, #tpu.memory_space<hbm>>, %arg3: memref<16384xi32, #tpu.memory_space<hbm>>, %arg4: memref<16384xi32, #tpu.memory_space<hbm>>, %arg5: memref<16384x64xf32, #tpu.memory_space<hbm>>, %arg6: memref<16384xi32, #tpu.memory_space<hbm>>, %arg7: memref<65536x64xf32, #tpu.memory_space<hbm>>, %arg8: memref<65536x16xi32, #tpu.memory_space<hbm>>, %arg9: memref<512xi32, #tpu.memory_space<vmem>>, %arg10: memref<512x64xf32, #tpu.memory_space<vmem>>, %arg11: memref<512xi32, #tpu.memory_space<vmem>>, %arg12: memref<512x16xi32, #tpu.memory_space<vmem>>, %arg13: memref<512x16xi32, #tpu.memory_space<vmem>>, %arg14: memref<512x64xf32, #tpu.memory_space<vmem>>, %arg15: memref<512xi32, #tpu.memory_space<vmem>>, %arg16: memref<!tpu.dma_semaphore, #tpu.memory_space<semaphore_mem>>) attributes {dimension_semantics = [#tpu.dimension_semantics<core_parallel>, #tpu.dimension_semantics<subcore_parallel>], iteration_bounds = array<i64: 2, 16>, scalar_prefetch = 0 : i64, scratch_operands = 8 : i64, tpu.core_type = #tpu.core_type<sc_vector_subcore>, window_params = [{transform_indices = #map}, {transform_indices = #map1}, {transform_indices = #map1}, {transform_indices = #map}, {transform_indices = #map1}, {transform_indices = #map}, {transform_indices = #map}]} {
    %mul3A = arith.constant 16 : i32
    %mul3A_0 = arith.muli %arg0, %mul3A : i32
    %add3A = arith.addi %mul3A_0, %arg1 : i32
    %mul3A_1 = arith.constant 512 : i32
    %mul3A_2 = arith.muli %add3A, %mul3A_1 : i32
    %dma_start3A = tpu.memref_slice %arg4[%mul3A_2] : memref<16384xi32, #tpu.memory_space<hbm>> -> memref<512xi32, #tpu.memory_space<hbm>>
    %dma_start3A_3 = tpu.memref_slice %arg4[%mul3A_2] : memref<16384xi32, #tpu.memory_space<hbm>> -> memref<512xi32, #tpu.memory_space<hbm>>
    tpu.enqueue_dma source(%dma_start3A_3 : memref<512xi32, #tpu.memory_space<hbm>>) target(%arg9 : memref<512xi32, #tpu.memory_space<vmem>>) target_semaphore(%arg16 : memref<!tpu.dma_semaphore, #tpu.memory_space<semaphore_mem>>)
    %dma_start3A_4 = arith.constant 0 : i32
    %dma_start3A_5 = tpu.memref_slice %arg2[%mul3A_2, %dma_start3A_4] : memref<16384x64xf32, #tpu.memory_space<hbm>> -> memref<512x64xf32, #tpu.memory_space<hbm>>
    %dma_start3A_6 = arith.constant 0 : i32
    %dma_start3A_7 = tpu.memref_slice %arg2[%mul3A_2, %dma_start3A_6] : memref<16384x64xf32, #tpu.memory_space<hbm>> -> memref<512x64xf32, #tpu.memory_space<hbm>>
    tpu.enqueue_dma source(%dma_start3A_7 : memref<512x64xf32, #tpu.memory_space<hbm>>) target(%arg10 : memref<512x64xf32, #tpu.memory_space<vmem>>) target_semaphore(%arg16 : memref<!tpu.dma_semaphore, #tpu.memory_space<semaphore_mem>>)
    %dma_start3A_8 = tpu.memref_slice %arg3[%mul3A_2] : memref<16384xi32, #tpu.memory_space<hbm>> -> memref<512xi32, #tpu.memory_space<hbm>>
    %dma_start3A_9 = tpu.memref_slice %arg3[%mul3A_2] : memref<16384xi32, #tpu.memory_space<hbm>> -> memref<512xi32, #tpu.memory_space<hbm>>
    tpu.enqueue_dma source(%dma_start3A_9 : memref<512xi32, #tpu.memory_space<hbm>>) target(%arg11 : memref<512xi32, #tpu.memory_space<vmem>>) target_semaphore(%arg16 : memref<!tpu.dma_semaphore, #tpu.memory_space<semaphore_mem>>)
    %dma_wait3A = tpu.memref_slice %arg4[%mul3A_2] : memref<16384xi32, #tpu.memory_space<hbm>> -> memref<512xi32, #tpu.memory_space<hbm>>
    %dma_wait3A_10 = tpu.memref_slice %arg4[%mul3A_2] : memref<16384xi32, #tpu.memory_space<hbm>> -> memref<512xi32, #tpu.memory_space<hbm>>
    tpu.wait_dma2 semaphore(%arg16 : memref<!tpu.dma_semaphore, #tpu.memory_space<semaphore_mem>>) src(%dma_wait3A_10 : memref<512xi32, #tpu.memory_space<hbm>>) dst(%arg9 : memref<512xi32, #tpu.memory_space<vmem>>)
    %dma_wait3A_11 = arith.constant 0 : i32
    %dma_wait3A_12 = tpu.memref_slice %arg2[%mul3A_2, %dma_wait3A_11] : memref<16384x64xf32, #tpu.memory_space<hbm>> -> memref<512x64xf32, #tpu.memory_space<hbm>>
    %dma_wait3A_13 = arith.constant 0 : i32
    %dma_wait3A_14 = tpu.memref_slice %arg2[%mul3A_2, %dma_wait3A_13] : memref<16384x64xf32, #tpu.memory_space<hbm>> -> memref<512x64xf32, #tpu.memory_space<hbm>>
    tpu.wait_dma2 semaphore(%arg16 : memref<!tpu.dma_semaphore, #tpu.memory_space<semaphore_mem>>) src(%dma_wait3A_14 : memref<512x64xf32, #tpu.memory_space<hbm>>) dst(%arg10 : memref<512x64xf32, #tpu.memory_space<vmem>>)
    %dma_wait3A_15 = tpu.memref_slice %arg3[%mul3A_2] : memref<16384xi32, #tpu.memory_space<hbm>> -> memref<512xi32, #tpu.memory_space<hbm>>
    %dma_wait3A_16 = tpu.memref_slice %arg3[%mul3A_2] : memref<16384xi32, #tpu.memory_space<hbm>> -> memref<512xi32, #tpu.memory_space<hbm>>
    tpu.wait_dma2 semaphore(%arg16 : memref<!tpu.dma_semaphore, #tpu.memory_space<semaphore_mem>>) src(%dma_wait3A_16 : memref<512xi32, #tpu.memory_space<hbm>>) dst(%arg11 : memref<512xi32, #tpu.memory_space<vmem>>)
    %broadcast_in_dim3A = arith.constant 0 : i32
    %broadcast_in_dim3A_17 = vector.broadcast %broadcast_in_dim3A : i32 to vector<16xi32>
    %get3A = arith.constant 0 : index
    %get3A_18 = tpu.vector_load %arg11[%get3A] {strides = array<i32>} : memref<512xi32, #tpu.memory_space<vmem>>, vector<16xi32>,
    %iota3A = tpu.iota {dimensions = array<i32: 0>} : vector<16xi32>
    %add3A_19 = arith.constant 0 : i32
    %add3A_20 = vector.broadcast %add3A_19 : i32 to vector<16xi32>
    %add3A_21 = arith.addi %iota3A, %add3A_20 : vector<16xi32>
    tpu.vector_store_idx %arg12[%add3A_21, %broadcast_in_dim3A_17], %get3A_18 : memref<512x16xi32, #tpu.memory_space<vmem>>[vector<16xi32>, vector<16xi32>], vector<16xi32>,
    %get3A_22 = arith.constant 16 : index
    %get3A_23 = tpu.vector_load %arg11[%get3A_22] {strides = array<i32>} : memref<512xi32, #tpu.memory_space<vmem>>, vector<16xi32>,
    %iota3A_24 = tpu.iota {dimensions = array<i32: 0>} : vector<16xi32>
    %add3A_25 = arith.constant 16 : i32
    %add3A_26 = vector.broadcast %add3A_25 : i32 to vector<16xi32>
    %add3A_27 = arith.addi %iota3A_24, %add3A_26 : vector<16xi32>
    tpu.vector_store_idx %arg12[%add3A_27, %broadcast_in_dim3A_17], %get3A_23 : memref<512x16xi32, #tpu.memory_space<vmem>>[vector<16xi32>, vector<16xi32>], vector<16xi32>,
    %get3A_28 = arith.constant 32 : index
    %get3A_29 = tpu.vector_load %arg11[%get3A_28] {strides = array<i32>} : memref<512xi32, #tpu.memory_space<vmem>>, vector<16xi32>,
    %iota3A_30 = tpu.iota {dimensions = array<i32: 0>} : vector<16xi32>
    %add3A_31 = arith.constant 32 : i32
    %add3A_32 = vector.broadcast %add3A_31 : i32 to vector<16xi32>
    %add3A_33 = arith.addi %iota3A_30, %add3A_32 : vector<16xi32>
    tpu.vector_store_idx %arg12[%add3A_33, %broadcast_in_dim3A_17], %get3A_29 : memref<512x16xi32, #tpu.memory_space<vmem>>[vector<16xi32>, vector<16xi32>], vector<16xi32>,
    %get3A_34 = arith.constant 48 : index
    %get3A_35 = tpu.vector_load %arg11[%get3A_34] {strides = array<i32>} : memref<512xi32, #tpu.memory_space<vmem>>, vector<16xi32>,
    %iota3A_36 = tpu.iota {dimensions = array<i32: 0>} : vector<16xi32>
    %add3A_37 = arith.constant 48 : i32
    %add3A_38 = vector.broadcast %add3A_37 : i32 to vector<16xi32>
    %add3A_39 = arith.addi %iota3A_36, %add3A_38 : vector<16xi32>
    tpu.vector_store_idx %arg12[%add3A_39, %broadcast_in_dim3A_17], %get3A_35 : memref<512x16xi32, #tpu.memory_space<vmem>>[vector<16xi32>, vector<16xi32>], vector<16xi32>,
    %get3A_40 = arith.constant 64 : index
    %get3A_41 = tpu.vector_load %arg11[%get3A_40] {strides = array<i32>} : memref<512xi32, #tpu.memory_space<vmem>>, vector<16xi32>,
    %iota3A_42 = tpu.iota {dimensions = array<i32: 0>} : vector<16xi32>
    %add3A_43 = arith.constant 64 : i32
    %add3A_44 = vector.broadcast %add3A_43 : i32 to vector<16xi32>
    %add3A_45 = arith.addi %iota3A_42, %add3A_44 : vector<16xi32>
    tpu.vector_store_idx %arg12[%add3A_45, %broadcast_in_dim3A_17], %get3A_41 : memref<512x16xi32, #tpu.memory_space<vmem>>[vector<16xi32>, vector<16xi32>], vector<16xi32>,
    %get3A_46 = arith.constant 80 : index
    %get3A_47 = tpu.vector_load %arg11[%get3A_46] {strides = array<i32>} : memref<512xi32, #tpu.memory_space<vmem>>, vector<16xi32>,
    %iota3A_48 = tpu.iota {dimensions = array<i32: 0>} : vector<16xi32>
    %add3A_49 = arith.constant 80 : i32
    %add3A_50 = vector.broadcast %add3A_49 : i32 to vector<16xi32>
    %add3A_51 = arith.addi %iota3A_48, %add3A_50 : vector<16xi32>
    tpu.vector_store_idx %arg12[%add3A_51, %broadcast_in_dim3A_17], %get3A_47 : memref<512x16xi32, #tpu.memory_space<vmem>>[vector<16xi32>, vector<16xi32>], vector<16xi32>,
    %get3A_52 = arith.constant 96 : index
    %get3A_53 = tpu.vector_load %arg11[%get3A_52] {strides = array<i32>} : memref<512xi32, #tpu.memory_space<vmem>>, vector<16xi32>,
    %iota3A_54 = tpu.iota {dimensions = array<i32: 0>} : vector<16xi32>
    %add3A_55 = arith.constant 96 : i32
    %add3A_56 = vector.broadcast %add3A_55 : i32 to vector<16xi32>
    %add3A_57 = arith.addi %iota3A_54, %add3A_56 : vector<16xi32>
    tpu.vector_store_idx %arg12[%add3A_57, %broadcast_in_dim3A_17], %get3A_53 : memref<512x16xi32, #tpu.memory_space<vmem>>[vector<16xi32>, vector<16xi32>], vector<16xi32>,
    %get3A_58 = arith.constant 112 : index
    %get3A_59 = tpu.vector_load %arg11[%get3A_58] {strides = array<i32>} : memref<512xi32, #tpu.memory_space<vmem>>, vector<16xi32>,
    %iota3A_60 = tpu.iota {dimensions = array<i32: 0>} : vector<16xi32>
    %add3A_61 = arith.constant 112 : i32
    %add3A_62 = vector.broadcast %add3A_61 : i32 to vector<16xi32>
    %add3A_63 = arith.addi %iota3A_60, %add3A_62 : vector<16xi32>
    tpu.vector_store_idx %arg12[%add3A_63, %broadcast_in_dim3A_17], %get3A_59 : memref<512x16xi32, #tpu.memory_space<vmem>>[vector<16xi32>, vector<16xi32>], vector<16xi32>,
    %get3A_64 = arith.constant 128 : index
    %get3A_65 = tpu.vector_load %arg11[%get3A_64] {strides = array<i32>} : memref<512xi32, #tpu.memory_space<vmem>>, vector<16xi32>,
    %iota3A_66 = tpu.iota {dimensions = array<i32: 0>} : vector<16xi32>
    %add3A_67 = arith.constant 128 : i32
    %add3A_68 = vector.broadcast %add3A_67 : i32 to vector<16xi32>
    %add3A_69 = arith.addi %iota3A_66, %add3A_68 : vector<16xi32>
    tpu.vector_store_idx %arg12[%add3A_69, %broadcast_in_dim3A_17], %get3A_65 : memref<512x16xi32, #tpu.memory_space<vmem>>[vector<16xi32>, vector<16xi32>], vector<16xi32>,
    %get3A_70 = arith.constant 144 : index
    %get3A_71 = tpu.vector_load %arg11[%get3A_70] {strides = array<i32>} : memref<512xi32, #tpu.memory_space<vmem>>, vector<16xi32>,
    %iota3A_72 = tpu.iota {dimensions = array<i32: 0>} : vector<16xi32>
    %add3A_73 = arith.constant 144 : i32
    %add3A_74 = vector.broadcast %add3A_73 : i32 to vector<16xi32>
    %add3A_75 = arith.addi %iota3A_72, %add3A_74 : vector<16xi32>
    tpu.vector_store_idx %arg12[%add3A_75, %broadcast_in_dim3A_17], %get3A_71 : memref<512x16xi32, #tpu.memory_space<vmem>>[vector<16xi32>, vector<16xi32>], vector<16xi32>,
    %get3A_76 = arith.constant 160 : index
    %get3A_77 = tpu.vector_load %arg11[%get3A_76] {strides = array<i32>} : memref<512xi32, #tpu.memory_space<vmem>>, vector<16xi32>,
    %iota3A_78 = tpu.iota {dimensions = array<i32: 0>} : vector<16xi32>
    %add3A_79 = arith.constant 160 : i32
    %add3A_80 = vector.broadcast %add3A_79 : i32 to vector<16xi32>
    %add3A_81 = arith.addi %iota3A_78, %add3A_80 : vector<16xi32>
    tpu.vector_store_idx %arg12[%add3A_81, %broadcast_in_dim3A_17], %get3A_77 : memref<512x16xi32, #tpu.memory_space<vmem>>[vector<16xi32>, vector<16xi32>], vector<16xi32>,
    %get3A_82 = arith.constant 176 : index
    %get3A_83 = tpu.vector_load %arg11[%get3A_82] {strides = array<i32>} : memref<512xi32, #tpu.memory_space<vmem>>, vector<16xi32>,
    %iota3A_84 = tpu.iota {dimensions = array<i32: 0>} : vector<16xi32>
    %add3A_85 = arith.constant 176 : i32
    %add3A_86 = vector.broadcast %add3A_85 : i32 to vector<16xi32>
    %add3A_87 = arith.addi %iota3A_84, %add3A_86 : vector<16xi32>
    tpu.vector_store_idx %arg12[%add3A_87, %broadcast_in_dim3A_17], %get3A_83 : memref<512x16xi32, #tpu.memory_space<vmem>>[vector<16xi32>, vector<16xi32>], vector<16xi32>,
    %get3A_88 = arith.constant 192 : index
    %get3A_89 = tpu.vector_load %arg11[%get3A_88] {strides = array<i32>} : memref<512xi32, #tpu.memory_space<vmem>>, vector<16xi32>,
    %iota3A_90 = tpu.iota {dimensions = array<i32: 0>} : vector<16xi32>
    %add3A_91 = arith.constant 192 : i32
    %add3A_92 = vector.broadcast %add3A_91 : i32 to vector<16xi32>
    %add3A_93 = arith.addi %iota3A_90, %add3A_92 : vector<16xi32>
    tpu.vector_store_idx %arg12[%add3A_93, %broadcast_in_dim3A_17], %get3A_89 : memref<512x16xi32, #tpu.memory_space<vmem>>[vector<16xi32>, vector<16xi32>], vector<16xi32>,
    %get3A_94 = arith.constant 208 : index
    %get3A_95 = tpu.vector_load %arg11[%get3A_94] {strides = array<i32>} : memref<512xi32, #tpu.memory_space<vmem>>, vector<16xi32>,
    %iota3A_96 = tpu.iota {dimensions = array<i32: 0>} : vector<16xi32>
    %add3A_97 = arith.constant 208 : i32
    %add3A_98 = vector.broadcast %add3A_97 : i32 to vector<16xi32>
    %add3A_99 = arith.addi %iota3A_96, %add3A_98 : vector<16xi32>
    tpu.vector_store_idx %arg12[%add3A_99, %broadcast_in_dim3A_17], %get3A_95 : memref<512x16xi32, #tpu.memory_space<vmem>>[vector<16xi32>, vector<16xi32>], vector<16xi32>,
    %get3A_100 = arith.constant 224 : index
    %get3A_101 = tpu.vector_load %arg11[%get3A_100] {strides = array<i32>} : memref<512xi32, #tpu.memory_space<vmem>>, vector<16xi32>,
    %iota3A_102 = tpu.iota {dimensions = array<i32: 0>} : vector<16xi32>
    %add3A_103 = arith.constant 224 : i32
    %add3A_104 = vector.broadcast %add3A_103 : i32 to vector<16xi32>
    %add3A_105 = arith.addi %iota3A_102, %add3A_104 : vector<16xi32>
    tpu.vector_store_idx %arg12[%add3A_105, %broadcast_in_dim3A_17], %get3A_101 : memref<512x16xi32, #tpu.memory_space<vmem>>[vector<16xi32>, vector<16xi32>], vector<16xi32>,
    %get3A_106 = arith.constant 240 : index
    %get3A_107 = tpu.vector_load %arg11[%get3A_106] {strides = array<i32>} : memref<512xi32, #tpu.memory_space<vmem>>, vector<16xi32>,
    %iota3A_108 = tpu.iota {dimensions = array<i32: 0>} : vector<16xi32>
    %add3A_109 = arith.constant 240 : i32
    %add3A_110 = vector.broadcast %add3A_109 : i32 to vector<16xi32>
    %add3A_111 = arith.addi %iota3A_108, %add3A_110 : vector<16xi32>
    tpu.vector_store_idx %arg12[%add3A_111, %broadcast_in_dim3A_17], %get3A_107 : memref<512x16xi32, #tpu.memory_space<vmem>>[vector<16xi32>, vector<16xi32>], vector<16xi32>,
    %get3A_112 = arith.constant 256 : index
    %get3A_113 = tpu.vector_load %arg11[%get3A_112] {strides = array<i32>} : memref<512xi32, #tpu.memory_space<vmem>>, vector<16xi32>,
    %iota3A_114 = tpu.iota {dimensions = array<i32: 0>} : vector<16xi32>
    %add3A_115 = arith.constant 256 : i32
    %add3A_116 = vector.broadcast %add3A_115 : i32 to vector<16xi32>
    %add3A_117 = arith.addi %iota3A_114, %add3A_116 : vector<16xi32>
    tpu.vector_store_idx %arg12[%add3A_117, %broadcast_in_dim3A_17], %get3A_113 : memref<512x16xi32, #tpu.memory_space<vmem>>[vector<16xi32>, vector<16xi32>], vector<16xi32>,
    %get3A_118 = arith.constant 272 : index
    %get3A_119 = tpu.vector_load %arg11[%get3A_118] {strides = array<i32>} : memref<512xi32, #tpu.memory_space<vmem>>, vector<16xi32>,
    %iota3A_120 = tpu.iota {dimensions = array<i32: 0>} : vector<16xi32>
    %add3A_121 = arith.constant 272 : i32
    %add3A_122 = vector.broadcast %add3A_121 : i32 to vector<16xi32>
    %add3A_123 = arith.addi %iota3A_120, %add3A_122 : vector<16xi32>
    tpu.vector_store_idx %arg12[%add3A_123, %broadcast_in_dim3A_17], %get3A_119 : memref<512x16xi32, #tpu.memory_space<vmem>>[vector<16xi32>, vector<16xi32>], vector<16xi32>,
    %get3A_124 = arith.constant 288 : index
    %get3A_125 = tpu.vector_load %arg11[%get3A_124] {strides = array<i32>} : memref<512xi32, #tpu.memory_space<vmem>>, vector<16xi32>,
    %iota3A_126 = tpu.iota {dimensions = array<i32: 0>} : vector<16xi32>
    %add3A_127 = arith.constant 288 : i32
    %add3A_128 = vector.broadcast %add3A_127 : i32 to vector<16xi32>
    %add3A_129 = arith.addi %iota3A_126, %add3A_128 : vector<16xi32>
    tpu.vector_store_idx %arg12[%add3A_129, %broadcast_in_dim3A_17], %get3A_125 : memref<512x16xi32, #tpu.memory_space<vmem>>[vector<16xi32>, vector<16xi32>], vector<16xi32>,
    %get3A_130 = arith.constant 304 : index
    %get3A_131 = tpu.vector_load %arg11[%get3A_130] {strides = array<i32>} : memref<512xi32, #tpu.memory_space<vmem>>, vector<16xi32>,
    %iota3A_132 = tpu.iota {dimensions = array<i32: 0>} : vector<16xi32>
    %add3A_133 = arith.constant 304 : i32
    %add3A_134 = vector.broadcast %add3A_133 : i32 to vector<16xi32>
    %add3A_135 = arith.addi %iota3A_132, %add3A_134 : vector<16xi32>
    tpu.vector_store_idx %arg12[%add3A_135, %broadcast_in_dim3A_17], %get3A_131 : memref<512x16xi32, #tpu.memory_space<vmem>>[vector<16xi32>, vector<16xi32>], vector<16xi32>,
    %get3A_136 = arith.constant 320 : index
    %get3A_137 = tpu.vector_load %arg11[%get3A_136] {strides = array<i32>} : memref<512xi32, #tpu.memory_space<vmem>>, vector<16xi32>,
    %iota3A_138 = tpu.iota {dimensions = array<i32: 0>} : vector<16xi32>
    %add3A_139 = arith.constant 320 : i32
    %add3A_140 = vector.broadcast %add3A_139 : i32 to vector<16xi32>
    %add3A_141 = arith.addi %iota3A_138, %add3A_140 : vector<16xi32>
    tpu.vector_store_idx %arg12[%add3A_141, %broadcast_in_dim3A_17], %get3A_137 : memref<512x16xi32, #tpu.memory_space<vmem>>[vector<16xi32>, vector<16xi32>], vector<16xi32>,
    %get3A_142 = arith.constant 336 : index
    %get3A_143 = tpu.vector_load %arg11[%get3A_142] {strides = array<i32>} : memref<512xi32, #tpu.memory_space<vmem>>, vector<16xi32>,
    %iota3A_144 = tpu.iota {dimensions = array<i32: 0>} : vector<16xi32>
    %add3A_145 = arith.constant 336 : i32
    %add3A_146 = vector.broadcast %add3A_145 : i32 to vector<16xi32>
    %add3A_147 = arith.addi %iota3A_144, %add3A_146 : vector<16xi32>
    tpu.vector_store_idx %arg12[%add3A_147, %broadcast_in_dim3A_17], %get3A_143 : memref<512x16xi32, #tpu.memory_space<vmem>>[vector<16xi32>, vector<16xi32>], vector<16xi32>,
    %get3A_148 = arith.constant 352 : index
    %get3A_149 = tpu.vector_load %arg11[%get3A_148] {strides = array<i32>} : memref<512xi32, #tpu.memory_space<vmem>>, vector<16xi32>,
    %iota3A_150 = tpu.iota {dimensions = array<i32: 0>} : vector<16xi32>
    %add3A_151 = arith.constant 352 : i32
    %add3A_152 = vector.broadcast %add3A_151 : i32 to vector<16xi32>
    %add3A_153 = arith.addi %iota3A_150, %add3A_152 : vector<16xi32>
    tpu.vector_store_idx %arg12[%add3A_153, %broadcast_in_dim3A_17], %get3A_149 : memref<512x16xi32, #tpu.memory_space<vmem>>[vector<16xi32>, vector<16xi32>], vector<16xi32>,
    %get3A_154 = arith.constant 368 : index
    %get3A_155 = tpu.vector_load %arg11[%get3A_154] {strides = array<i32>} : memref<512xi32, #tpu.memory_space<vmem>>, vector<16xi32>,
    %iota3A_156 = tpu.iota {dimensions = array<i32: 0>} : vector<16xi32>
    %add3A_157 = arith.constant 368 : i32
    %add3A_158 = vector.broadcast %add3A_157 : i32 to vector<16xi32>
    %add3A_159 = arith.addi %iota3A_156, %add3A_158 : vector<16xi32>
    tpu.vector_store_idx %arg12[%add3A_159, %broadcast_in_dim3A_17], %get3A_155 : memref<512x16xi32, #tpu.memory_space<vmem>>[vector<16xi32>, vector<16xi32>], vector<16xi32>,
    %get3A_160 = arith.constant 384 : index
    %get3A_161 = tpu.vector_load %arg11[%get3A_160] {strides = array<i32>} : memref<512xi32, #tpu.memory_space<vmem>>, vector<16xi32>,
    %iota3A_162 = tpu.iota {dimensions = array<i32: 0>} : vector<16xi32>
    %add3A_163 = arith.constant 384 : i32
    %add3A_164 = vector.broadcast %add3A_163 : i32 to vector<16xi32>
    %add3A_165 = arith.addi %iota3A_162, %add3A_164 : vector<16xi32>
    tpu.vector_store_idx %arg12[%add3A_165, %broadcast_in_dim3A_17], %get3A_161 : memref<512x16xi32, #tpu.memory_space<vmem>>[vector<16xi32>, vector<16xi32>], vector<16xi32>,
    %get3A_166 = arith.constant 400 : index
    %get3A_167 = tpu.vector_load %arg11[%get3A_166] {strides = array<i32>} : memref<512xi32, #tpu.memory_space<vmem>>, vector<16xi32>,
    %iota3A_168 = tpu.iota {dimensions = array<i32: 0>} : vector<16xi32>
    %add3A_169 = arith.constant 400 : i32
    %add3A_170 = vector.broadcast %add3A_169 : i32 to vector<16xi32>
    %add3A_171 = arith.addi %iota3A_168, %add3A_170 : vector<16xi32>
    tpu.vector_store_idx %arg12[%add3A_171, %broadcast_in_dim3A_17], %get3A_167 : memref<512x16xi32, #tpu.memory_space<vmem>>[vector<16xi32>, vector<16xi32>], vector<16xi32>,
    %get3A_172 = arith.constant 416 : index
    %get3A_173 = tpu.vector_load %arg11[%get3A_172] {strides = array<i32>} : memref<512xi32, #tpu.memory_space<vmem>>, vector<16xi32>,
    %iota3A_174 = tpu.iota {dimensions = array<i32: 0>} : vector<16xi32>
    %add3A_175 = arith.constant 416 : i32
    %add3A_176 = vector.broadcast %add3A_175 : i32 to vector<16xi32>
    %add3A_177 = arith.addi %iota3A_174, %add3A_176 : vector<16xi32>
    tpu.vector_store_idx %arg12[%add3A_177, %broadcast_in_dim3A_17], %get3A_173 : memref<512x16xi32, #tpu.memory_space<vmem>>[vector<16xi32>, vector<16xi32>], vector<16xi32>,
    %get3A_178 = arith.constant 432 : index
    %get3A_179 = tpu.vector_load %arg11[%get3A_178] {strides = array<i32>} : memref<512xi32, #tpu.memory_space<vmem>>, vector<16xi32>,
    %iota3A_180 = tpu.iota {dimensions = array<i32: 0>} : vector<16xi32>
    %add3A_181 = arith.constant 432 : i32
    %add3A_182 = vector.broadcast %add3A_181 : i32 to vector<16xi32>
    %add3A_183 = arith.addi %iota3A_180, %add3A_182 : vector<16xi32>
    tpu.vector_store_idx %arg12[%add3A_183, %broadcast_in_dim3A_17], %get3A_179 : memref<512x16xi32, #tpu.memory_space<vmem>>[vector<16xi32>, vector<16xi32>], vector<16xi32>,
    %get3A_184 = arith.constant 448 : index
    %get3A_185 = tpu.vector_load %arg11[%get3A_184] {strides = array<i32>} : memref<512xi32, #tpu.memory_space<vmem>>, vector<16xi32>,
    %iota3A_186 = tpu.iota {dimensions = array<i32: 0>} : vector<16xi32>
    %add3A_187 = arith.constant 448 : i32
    %add3A_188 = vector.broadcast %add3A_187 : i32 to vector<16xi32>
    %add3A_189 = arith.addi %iota3A_186, %add3A_188 : vector<16xi32>
    tpu.vector_store_idx %arg12[%add3A_189, %broadcast_in_dim3A_17], %get3A_185 : memref<512x16xi32, #tpu.memory_space<vmem>>[vector<16xi32>, vector<16xi32>], vector<16xi32>,
    %get3A_190 = arith.constant 464 : index
    %get3A_191 = tpu.vector_load %arg11[%get3A_190] {strides = array<i32>} : memref<512xi32, #tpu.memory_space<vmem>>, vector<16xi32>,
    %iota3A_192 = tpu.iota {dimensions = array<i32: 0>} : vector<16xi32>
    %add3A_193 = arith.constant 464 : i32
    %add3A_194 = vector.broadcast %add3A_193 : i32 to vector<16xi32>
    %add3A_195 = arith.addi %iota3A_192, %add3A_194 : vector<16xi32>
    tpu.vector_store_idx %arg12[%add3A_195, %broadcast_in_dim3A_17], %get3A_191 : memref<512x16xi32, #tpu.memory_space<vmem>>[vector<16xi32>, vector<16xi32>], vector<16xi32>,
    %get3A_196 = arith.constant 480 : index
    %get3A_197 = tpu.vector_load %arg11[%get3A_196] {strides = array<i32>} : memref<512xi32, #tpu.memory_space<vmem>>, vector<16xi32>,
    %iota3A_198 = tpu.iota {dimensions = array<i32: 0>} : vector<16xi32>
    %add3A_199 = arith.constant 480 : i32
    %add3A_200 = vector.broadcast %add3A_199 : i32 to vector<16xi32>
    %add3A_201 = arith.addi %iota3A_198, %add3A_200 : vector<16xi32>
    tpu.vector_store_idx %arg12[%add3A_201, %broadcast_in_dim3A_17], %get3A_197 : memref<512x16xi32, #tpu.memory_space<vmem>>[vector<16xi32>, vector<16xi32>], vector<16xi32>,
    %get3A_202 = arith.constant 496 : index
    %get3A_203 = tpu.vector_load %arg11[%get3A_202] {strides = array<i32>} : memref<512xi32, #tpu.memory_space<vmem>>, vector<16xi32>,
    %iota3A_204 = tpu.iota {dimensions = array<i32: 0>} : vector<16xi32>
    %add3A_205 = arith.constant 496 : i32
    %add3A_206 = vector.broadcast %add3A_205 : i32 to vector<16xi32>
    %add3A_207 = arith.addi %iota3A_204, %add3A_206 : vector<16xi32>
    tpu.vector_store_idx %arg12[%add3A_207, %broadcast_in_dim3A_17], %get3A_203 : memref<512x16xi32, #tpu.memory_space<vmem>>[vector<16xi32>, vector<16xi32>], vector<16xi32>,
    %dma_start3A_208 = arith.constant 0 : i32
    %dma_start3A_209 = arith.constant 0 : i32
    %dma_start3A_210 = tpu.memref_slice %arg7[%dma_start3A_208, %dma_start3A_209] : memref<65536x64xf32, #tpu.memory_space<hbm>> -> memref<65536x64xf32, #tpu.memory_space<hbm>>
    tpu.enqueue_indirect_dma source(%arg10 : memref<512x64xf32, #tpu.memory_space<vmem>>) target(%dma_start3A_210 : memref<65536x64xf32, #tpu.memory_space<hbm>>) offsets(%arg9 : memref<512xi32, #tpu.memory_space<vmem>>) semaphore(%arg16 : memref<!tpu.dma_semaphore, #tpu.memory_space<semaphore_mem>>)
    %dma_start3A_211 = arith.constant 0 : i32
    %dma_start3A_212 = arith.constant 0 : i32
    %dma_start3A_213 = tpu.memref_slice %arg8[%dma_start3A_211, %dma_start3A_212] : memref<65536x16xi32, #tpu.memory_space<hbm>> -> memref<65536x16xi32, #tpu.memory_space<hbm>>
    tpu.enqueue_indirect_dma source(%arg12 : memref<512x16xi32, #tpu.memory_space<vmem>>) target(%dma_start3A_213 : memref<65536x16xi32, #tpu.memory_space<hbm>>) offsets(%arg9 : memref<512xi32, #tpu.memory_space<vmem>>) semaphore(%arg16 : memref<!tpu.dma_semaphore, #tpu.memory_space<semaphore_mem>>)
    %dma_wait3A_214 = arith.constant 0 : i32
    %dma_wait3A_215 = arith.constant 0 : i32
    %dma_wait3A_216 = tpu.memref_slice %arg7[%dma_wait3A_214, %dma_wait3A_215] : memref<65536x64xf32, #tpu.memory_space<hbm>> -> memref<65536x64xf32, #tpu.memory_space<hbm>>
    tpu.wait_indirect_dma semaphore(%arg16 : memref<!tpu.dma_semaphore, #tpu.memory_space<semaphore_mem>>) src(%arg10 : memref<512x64xf32, #tpu.memory_space<vmem>>) dst(%dma_wait3A_216 : memref<65536x64xf32, #tpu.memory_space<hbm>>)
    %dma_wait3A_217 = arith.constant 0 : i32
    %dma_wait3A_218 = arith.constant 0 : i32
    %dma_wait3A_219 = tpu.memref_slice %arg8[%dma_wait3A_217, %dma_wait3A_218] : memref<65536x16xi32, #tpu.memory_space<hbm>> -> memref<65536x16xi32, #tpu.memory_space<hbm>>
    tpu.wait_indirect_dma semaphore(%arg16 : memref<!tpu.dma_semaphore, #tpu.memory_space<semaphore_mem>>) src(%arg12 : memref<512x16xi32, #tpu.memory_space<vmem>>) dst(%dma_wait3A_219 : memref<65536x16xi32, #tpu.memory_space<hbm>>)
    %dma_start3A_220 = arith.constant 0 : i32
    %dma_start3A_221 = arith.constant 0 : i32
    %dma_start3A_222 = tpu.memref_slice %arg7[%dma_start3A_220, %dma_start3A_221] : memref<65536x64xf32, #tpu.memory_space<hbm>> -> memref<65536x64xf32, #tpu.memory_space<hbm>>
    tpu.enqueue_indirect_dma source(%dma_start3A_222 : memref<65536x64xf32, #tpu.memory_space<hbm>>) target(%arg14 : memref<512x64xf32, #tpu.memory_space<vmem>>) offsets(%arg9 : memref<512xi32, #tpu.memory_space<vmem>>) semaphore(%arg16 : memref<!tpu.dma_semaphore, #tpu.memory_space<semaphore_mem>>)
    %dma_start3A_223 = arith.constant 0 : i32
    %dma_start3A_224 = arith.constant 0 : i32
    %dma_start3A_225 = tpu.memref_slice %arg8[%dma_start3A_223, %dma_start3A_224] : memref<65536x16xi32, #tpu.memory_space<hbm>> -> memref<65536x16xi32, #tpu.memory_space<hbm>>
    tpu.enqueue_indirect_dma source(%dma_start3A_225 : memref<65536x16xi32, #tpu.memory_space<hbm>>) target(%arg13 : memref<512x16xi32, #tpu.memory_space<vmem>>) offsets(%arg9 : memref<512xi32, #tpu.memory_space<vmem>>) semaphore(%arg16 : memref<!tpu.dma_semaphore, #tpu.memory_space<semaphore_mem>>)
    %dma_wait3A_226 = arith.constant 0 : i32
    %dma_wait3A_227 = arith.constant 0 : i32
    %dma_wait3A_228 = tpu.memref_slice %arg7[%dma_wait3A_226, %dma_wait3A_227] : memref<65536x64xf32, #tpu.memory_space<hbm>> -> memref<65536x64xf32, #tpu.memory_space<hbm>>
    tpu.wait_indirect_dma semaphore(%arg16 : memref<!tpu.dma_semaphore, #tpu.memory_space<semaphore_mem>>) src(%dma_wait3A_228 : memref<65536x64xf32, #tpu.memory_space<hbm>>) dst(%arg14 : memref<512x64xf32, #tpu.memory_space<vmem>>)
    %dma_wait3A_229 = arith.constant 0 : i32
    %dma_wait3A_230 = arith.constant 0 : i32
    %dma_wait3A_231 = tpu.memref_slice %arg8[%dma_wait3A_229, %dma_wait3A_230] : memref<65536x16xi32, #tpu.memory_space<hbm>> -> memref<65536x16xi32, #tpu.memory_space<hbm>>
    tpu.wait_indirect_dma semaphore(%arg16 : memref<!tpu.dma_semaphore, #tpu.memory_space<semaphore_mem>>) src(%dma_wait3A_231 : memref<65536x16xi32, #tpu.memory_space<hbm>>) dst(%arg13 : memref<512x16xi32, #tpu.memory_space<vmem>>)
    %iota3A_232 = tpu.iota {dimensions = array<i32: 0>} : vector<16xi32>
    %add3A_233 = arith.constant 0 : i32
    %add3A_234 = vector.broadcast %add3A_233 : i32 to vector<16xi32>
    %add3A_235 = arith.addi %iota3A_232, %add3A_234 : vector<16xi32>
    %gather3A = tpu.vector_load_idx %arg13[%add3A_235, %broadcast_in_dim3A_17] : memref<512x16xi32, #tpu.memory_space<vmem>>[vector<16xi32>, vector<16xi32>], vector<16xi32>,
    %swap3A = arith.constant 0 : index
    %swap3A_236 = tpu.vector_load %arg15[%swap3A] {strides = array<i32>} : memref<512xi32, #tpu.memory_space<vmem>>, vector<16xi32>,
    tpu.vector_store %arg15[%swap3A], %gather3A {strides = array<i32>} : memref<512xi32, #tpu.memory_space<vmem>>, vector<16xi32>,
    %iota3A_237 = tpu.iota {dimensions = array<i32: 0>} : vector<16xi32>
    %add3A_238 = arith.constant 16 : i32
    %add3A_239 = vector.broadcast %add3A_238 : i32 to vector<16xi32>
    %add3A_240 = arith.addi %iota3A_237, %add3A_239 : vector<16xi32>
    %gather3A_241 = tpu.vector_load_idx %arg13[%add3A_240, %broadcast_in_dim3A_17] : memref<512x16xi32, #tpu.memory_space<vmem>>[vector<16xi32>, vector<16xi32>], vector<16xi32>,
    %swap3A_242 = arith.constant 16 : index
    %swap3A_243 = tpu.vector_load %arg15[%swap3A_242] {strides = array<i32>} : memref<512xi32, #tpu.memory_space<vmem>>, vector<16xi32>,
    tpu.vector_store %arg15[%swap3A_242], %gather3A_241 {strides = array<i32>} : memref<512xi32, #tpu.memory_space<vmem>>, vector<16xi32>,
    %iota3A_244 = tpu.iota {dimensions = array<i32: 0>} : vector<16xi32>
    %add3A_245 = arith.constant 32 : i32
    %add3A_246 = vector.broadcast %add3A_245 : i32 to vector<16xi32>
    %add3A_247 = arith.addi %iota3A_244, %add3A_246 : vector<16xi32>
    %gather3A_248 = tpu.vector_load_idx %arg13[%add3A_247, %broadcast_in_dim3A_17] : memref<512x16xi32, #tpu.memory_space<vmem>>[vector<16xi32>, vector<16xi32>], vector<16xi32>,
    %swap3A_249 = arith.constant 32 : index
    %swap3A_250 = tpu.vector_load %arg15[%swap3A_249] {strides = array<i32>} : memref<512xi32, #tpu.memory_space<vmem>>, vector<16xi32>,
    tpu.vector_store %arg15[%swap3A_249], %gather3A_248 {strides = array<i32>} : memref<512xi32, #tpu.memory_space<vmem>>, vector<16xi32>,
    %iota3A_251 = tpu.iota {dimensions = array<i32: 0>} : vector<16xi32>
    %add3A_252 = arith.constant 48 : i32
    %add3A_253 = vector.broadcast %add3A_252 : i32 to vector<16xi32>
    %add3A_254 = arith.addi %iota3A_251, %add3A_253 : vector<16xi32>
    %gather3A_255 = tpu.vector_load_idx %arg13[%add3A_254, %broadcast_in_dim3A_17] : memref<512x16xi32, #tpu.memory_space<vmem>>[vector<16xi32>, vector<16xi32>], vector<16xi32>,
    %swap3A_256 = arith.constant 48 : index
    %swap3A_257 = tpu.vector_load %arg15[%swap3A_256] {strides = array<i32>} : memref<512xi32, #tpu.memory_space<vmem>>, vector<16xi32>,
    tpu.vector_store %arg15[%swap3A_256], %gather3A_255 {strides = array<i32>} : memref<512xi32, #tpu.memory_space<vmem>>, vector<16xi32>,
    %iota3A_258 = tpu.iota {dimensions = array<i32: 0>} : vector<16xi32>
    %add3A_259 = arith.constant 64 : i32
    %add3A_260 = vector.broadcast %add3A_259 : i32 to vector<16xi32>
    %add3A_261 = arith.addi %iota3A_258, %add3A_260 : vector<16xi32>
    %gather3A_262 = tpu.vector_load_idx %arg13[%add3A_261, %broadcast_in_dim3A_17] : memref<512x16xi32, #tpu.memory_space<vmem>>[vector<16xi32>, vector<16xi32>], vector<16xi32>,
    %swap3A_263 = arith.constant 64 : index
    %swap3A_264 = tpu.vector_load %arg15[%swap3A_263] {strides = array<i32>} : memref<512xi32, #tpu.memory_space<vmem>>, vector<16xi32>,
    tpu.vector_store %arg15[%swap3A_263], %gather3A_262 {strides = array<i32>} : memref<512xi32, #tpu.memory_space<vmem>>, vector<16xi32>,
    %iota3A_265 = tpu.iota {dimensions = array<i32: 0>} : vector<16xi32>
    %add3A_266 = arith.constant 80 : i32
    %add3A_267 = vector.broadcast %add3A_266 : i32 to vector<16xi32>
    %add3A_268 = arith.addi %iota3A_265, %add3A_267 : vector<16xi32>
    %gather3A_269 = tpu.vector_load_idx %arg13[%add3A_268, %broadcast_in_dim3A_17] : memref<512x16xi32, #tpu.memory_space<vmem>>[vector<16xi32>, vector<16xi32>], vector<16xi32>,
    %swap3A_270 = arith.constant 80 : index
    %swap3A_271 = tpu.vector_load %arg15[%swap3A_270] {strides = array<i32>} : memref<512xi32, #tpu.memory_space<vmem>>, vector<16xi32>,
    tpu.vector_store %arg15[%swap3A_270], %gather3A_269 {strides = array<i32>} : memref<512xi32, #tpu.memory_space<vmem>>, vector<16xi32>,
    %iota3A_272 = tpu.iota {dimensions = array<i32: 0>} : vector<16xi32>
    %add3A_273 = arith.constant 96 : i32
    %add3A_274 = vector.broadcast %add3A_273 : i32 to vector<16xi32>
    %add3A_275 = arith.addi %iota3A_272, %add3A_274 : vector<16xi32>
    %gather3A_276 = tpu.vector_load_idx %arg13[%add3A_275, %broadcast_in_dim3A_17] : memref<512x16xi32, #tpu.memory_space<vmem>>[vector<16xi32>, vector<16xi32>], vector<16xi32>,
    %swap3A_277 = arith.constant 96 : index
    %swap3A_278 = tpu.vector_load %arg15[%swap3A_277] {strides = array<i32>} : memref<512xi32, #tpu.memory_space<vmem>>, vector<16xi32>,
    tpu.vector_store %arg15[%swap3A_277], %gather3A_276 {strides = array<i32>} : memref<512xi32, #tpu.memory_space<vmem>>, vector<16xi32>,
    %iota3A_279 = tpu.iota {dimensions = array<i32: 0>} : vector<16xi32>
    %add3A_280 = arith.constant 112 : i32
    %add3A_281 = vector.broadcast %add3A_280 : i32 to vector<16xi32>
    %add3A_282 = arith.addi %iota3A_279, %add3A_281 : vector<16xi32>
    %gather3A_283 = tpu.vector_load_idx %arg13[%add3A_282, %broadcast_in_dim3A_17] : memref<512x16xi32, #tpu.memory_space<vmem>>[vector<16xi32>, vector<16xi32>], vector<16xi32>,
    %swap3A_284 = arith.constant 112 : index
    %swap3A_285 = tpu.vector_load %arg15[%swap3A_284] {strides = array<i32>} : memref<512xi32, #tpu.memory_space<vmem>>, vector<16xi32>,
    tpu.vector_store %arg15[%swap3A_284], %gather3A_283 {strides = array<i32>} : memref<512xi32, #tpu.memory_space<vmem>>, vector<16xi32>,
    %iota3A_286 = tpu.iota {dimensions = array<i32: 0>} : vector<16xi32>
    %add3A_287 = arith.constant 128 : i32
    %add3A_288 = vector.broadcast %add3A_287 : i32 to vector<16xi32>
    %add3A_289 = arith.addi %iota3A_286, %add3A_288 : vector<16xi32>
    %gather3A_290 = tpu.vector_load_idx %arg13[%add3A_289, %broadcast_in_dim3A_17] : memref<512x16xi32, #tpu.memory_space<vmem>>[vector<16xi32>, vector<16xi32>], vector<16xi32>,
    %swap3A_291 = arith.constant 128 : index
    %swap3A_292 = tpu.vector_load %arg15[%swap3A_291] {strides = array<i32>} : memref<512xi32, #tpu.memory_space<vmem>>, vector<16xi32>,
    tpu.vector_store %arg15[%swap3A_291], %gather3A_290 {strides = array<i32>} : memref<512xi32, #tpu.memory_space<vmem>>, vector<16xi32>,
    %iota3A_293 = tpu.iota {dimensions = array<i32: 0>} : vector<16xi32>
    %add3A_294 = arith.constant 144 : i32
    %add3A_295 = vector.broadcast %add3A_294 : i32 to vector<16xi32>
    %add3A_296 = arith.addi %iota3A_293, %add3A_295 : vector<16xi32>
    %gather3A_297 = tpu.vector_load_idx %arg13[%add3A_296, %broadcast_in_dim3A_17] : memref<512x16xi32, #tpu.memory_space<vmem>>[vector<16xi32>, vector<16xi32>], vector<16xi32>,
    %swap3A_298 = arith.constant 144 : index
    %swap3A_299 = tpu.vector_load %arg15[%swap3A_298] {strides = array<i32>} : memref<512xi32, #tpu.memory_space<vmem>>, vector<16xi32>,
    tpu.vector_store %arg15[%swap3A_298], %gather3A_297 {strides = array<i32>} : memref<512xi32, #tpu.memory_space<vmem>>, vector<16xi32>,
    %iota3A_300 = tpu.iota {dimensions = array<i32: 0>} : vector<16xi32>
    %add3A_301 = arith.constant 160 : i32
    %add3A_302 = vector.broadcast %add3A_301 : i32 to vector<16xi32>
    %add3A_303 = arith.addi %iota3A_300, %add3A_302 : vector<16xi32>
    %gather3A_304 = tpu.vector_load_idx %arg13[%add3A_303, %broadcast_in_dim3A_17] : memref<512x16xi32, #tpu.memory_space<vmem>>[vector<16xi32>, vector<16xi32>], vector<16xi32>,
    %swap3A_305 = arith.constant 160 : index
    %swap3A_306 = tpu.vector_load %arg15[%swap3A_305] {strides = array<i32>} : memref<512xi32, #tpu.memory_space<vmem>>, vector<16xi32>,
    tpu.vector_store %arg15[%swap3A_305], %gather3A_304 {strides = array<i32>} : memref<512xi32, #tpu.memory_space<vmem>>, vector<16xi32>,
    %iota3A_307 = tpu.iota {dimensions = array<i32: 0>} : vector<16xi32>
    %add3A_308 = arith.constant 176 : i32
    %add3A_309 = vector.broadcast %add3A_308 : i32 to vector<16xi32>
    %add3A_310 = arith.addi %iota3A_307, %add3A_309 : vector<16xi32>
    %gather3A_311 = tpu.vector_load_idx %arg13[%add3A_310, %broadcast_in_dim3A_17] : memref<512x16xi32, #tpu.memory_space<vmem>>[vector<16xi32>, vector<16xi32>], vector<16xi32>,
    %swap3A_312 = arith.constant 176 : index
    %swap3A_313 = tpu.vector_load %arg15[%swap3A_312] {strides = array<i32>} : memref<512xi32, #tpu.memory_space<vmem>>, vector<16xi32>,
    tpu.vector_store %arg15[%swap3A_312], %gather3A_311 {strides = array<i32>} : memref<512xi32, #tpu.memory_space<vmem>>, vector<16xi32>,
    %iota3A_314 = tpu.iota {dimensions = array<i32: 0>} : vector<16xi32>
    %add3A_315 = arith.constant 192 : i32
    %add3A_316 = vector.broadcast %add3A_315 : i32 to vector<16xi32>
    %add3A_317 = arith.addi %iota3A_314, %add3A_316 : vector<16xi32>
    %gather3A_318 = tpu.vector_load_idx %arg13[%add3A_317, %broadcast_in_dim3A_17] : memref<512x16xi32, #tpu.memory_space<vmem>>[vector<16xi32>, vector<16xi32>], vector<16xi32>,
    %swap3A_319 = arith.constant 192 : index
    %swap3A_320 = tpu.vector_load %arg15[%swap3A_319] {strides = array<i32>} : memref<512xi32, #tpu.memory_space<vmem>>, vector<16xi32>,
    tpu.vector_store %arg15[%swap3A_319], %gather3A_318 {strides = array<i32>} : memref<512xi32, #tpu.memory_space<vmem>>, vector<16xi32>,
    %iota3A_321 = tpu.iota {dimensions = array<i32: 0>} : vector<16xi32>
    %add3A_322 = arith.constant 208 : i32
    %add3A_323 = vector.broadcast %add3A_322 : i32 to vector<16xi32>
    %add3A_324 = arith.addi %iota3A_321, %add3A_323 : vector<16xi32>
    %gather3A_325 = tpu.vector_load_idx %arg13[%add3A_324, %broadcast_in_dim3A_17] : memref<512x16xi32, #tpu.memory_space<vmem>>[vector<16xi32>, vector<16xi32>], vector<16xi32>,
    %swap3A_326 = arith.constant 208 : index
    %swap3A_327 = tpu.vector_load %arg15[%swap3A_326] {strides = array<i32>} : memref<512xi32, #tpu.memory_space<vmem>>, vector<16xi32>,
    tpu.vector_store %arg15[%swap3A_326], %gather3A_325 {strides = array<i32>} : memref<512xi32, #tpu.memory_space<vmem>>, vector<16xi32>,
    %iota3A_328 = tpu.iota {dimensions = array<i32: 0>} : vector<16xi32>
    %add3A_329 = arith.constant 224 : i32
    %add3A_330 = vector.broadcast %add3A_329 : i32 to vector<16xi32>
    %add3A_331 = arith.addi %iota3A_328, %add3A_330 : vector<16xi32>
    %gather3A_332 = tpu.vector_load_idx %arg13[%add3A_331, %broadcast_in_dim3A_17] : memref<512x16xi32, #tpu.memory_space<vmem>>[vector<16xi32>, vector<16xi32>], vector<16xi32>,
    %swap3A_333 = arith.constant 224 : index
    %swap3A_334 = tpu.vector_load %arg15[%swap3A_333] {strides = array<i32>} : memref<512xi32, #tpu.memory_space<vmem>>, vector<16xi32>,
    tpu.vector_store %arg15[%swap3A_333], %gather3A_332 {strides = array<i32>} : memref<512xi32, #tpu.memory_space<vmem>>, vector<16xi32>,
    %iota3A_335 = tpu.iota {dimensions = array<i32: 0>} : vector<16xi32>
    %add3A_336 = arith.constant 240 : i32
    %add3A_337 = vector.broadcast %add3A_336 : i32 to vector<16xi32>
    %add3A_338 = arith.addi %iota3A_335, %add3A_337 : vector<16xi32>
    %gather3A_339 = tpu.vector_load_idx %arg13[%add3A_338, %broadcast_in_dim3A_17] : memref<512x16xi32, #tpu.memory_space<vmem>>[vector<16xi32>, vector<16xi32>], vector<16xi32>,
    %swap3A_340 = arith.constant 240 : index
    %swap3A_341 = tpu.vector_load %arg15[%swap3A_340] {strides = array<i32>} : memref<512xi32, #tpu.memory_space<vmem>>, vector<16xi32>,
    tpu.vector_store %arg15[%swap3A_340], %gather3A_339 {strides = array<i32>} : memref<512xi32, #tpu.memory_space<vmem>>, vector<16xi32>,
    %iota3A_342 = tpu.iota {dimensions = array<i32: 0>} : vector<16xi32>
    %add3A_343 = arith.constant 256 : i32
    %add3A_344 = vector.broadcast %add3A_343 : i32 to vector<16xi32>
    %add3A_345 = arith.addi %iota3A_342, %add3A_344 : vector<16xi32>
    %gather3A_346 = tpu.vector_load_idx %arg13[%add3A_345, %broadcast_in_dim3A_17] : memref<512x16xi32, #tpu.memory_space<vmem>>[vector<16xi32>, vector<16xi32>], vector<16xi32>,
    %swap3A_347 = arith.constant 256 : index
    %swap3A_348 = tpu.vector_load %arg15[%swap3A_347] {strides = array<i32>} : memref<512xi32, #tpu.memory_space<vmem>>, vector<16xi32>,
    tpu.vector_store %arg15[%swap3A_347], %gather3A_346 {strides = array<i32>} : memref<512xi32, #tpu.memory_space<vmem>>, vector<16xi32>,
    %iota3A_349 = tpu.iota {dimensions = array<i32: 0>} : vector<16xi32>
    %add3A_350 = arith.constant 272 : i32
    %add3A_351 = vector.broadcast %add3A_350 : i32 to vector<16xi32>
    %add3A_352 = arith.addi %iota3A_349, %add3A_351 : vector<16xi32>
    %gather3A_353 = tpu.vector_load_idx %arg13[%add3A_352, %broadcast_in_dim3A_17] : memref<512x16xi32, #tpu.memory_space<vmem>>[vector<16xi32>, vector<16xi32>], vector<16xi32>,
    %swap3A_354 = arith.constant 272 : index
    %swap3A_355 = tpu.vector_load %arg15[%swap3A_354] {strides = array<i32>} : memref<512xi32, #tpu.memory_space<vmem>>, vector<16xi32>,
    tpu.vector_store %arg15[%swap3A_354], %gather3A_353 {strides = array<i32>} : memref<512xi32, #tpu.memory_space<vmem>>, vector<16xi32>,
    %iota3A_356 = tpu.iota {dimensions = array<i32: 0>} : vector<16xi32>
    %add3A_357 = arith.constant 288 : i32
    %add3A_358 = vector.broadcast %add3A_357 : i32 to vector<16xi32>
    %add3A_359 = arith.addi %iota3A_356, %add3A_358 : vector<16xi32>
    %gather3A_360 = tpu.vector_load_idx %arg13[%add3A_359, %broadcast_in_dim3A_17] : memref<512x16xi32, #tpu.memory_space<vmem>>[vector<16xi32>, vector<16xi32>], vector<16xi32>,
    %swap3A_361 = arith.constant 288 : index
    %swap3A_362 = tpu.vector_load %arg15[%swap3A_361] {strides = array<i32>} : memref<512xi32, #tpu.memory_space<vmem>>, vector<16xi32>,
    tpu.vector_store %arg15[%swap3A_361], %gather3A_360 {strides = array<i32>} : memref<512xi32, #tpu.memory_space<vmem>>, vector<16xi32>,
    %iota3A_363 = tpu.iota {dimensions = array<i32: 0>} : vector<16xi32>
    %add3A_364 = arith.constant 304 : i32
    %add3A_365 = vector.broadcast %add3A_364 : i32 to vector<16xi32>
    %add3A_366 = arith.addi %iota3A_363, %add3A_365 : vector<16xi32>
    %gather3A_367 = tpu.vector_load_idx %arg13[%add3A_366, %broadcast_in_dim3A_17] : memref<512x16xi32, #tpu.memory_space<vmem>>[vector<16xi32>, vector<16xi32>], vector<16xi32>,
    %swap3A_368 = arith.constant 304 : index
    %swap3A_369 = tpu.vector_load %arg15[%swap3A_368] {strides = array<i32>} : memref<512xi32, #tpu.memory_space<vmem>>, vector<16xi32>,
    tpu.vector_store %arg15[%swap3A_368], %gather3A_367 {strides = array<i32>} : memref<512xi32, #tpu.memory_space<vmem>>, vector<16xi32>,
    %iota3A_370 = tpu.iota {dimensions = array<i32: 0>} : vector<16xi32>
    %add3A_371 = arith.constant 320 : i32
    %add3A_372 = vector.broadcast %add3A_371 : i32 to vector<16xi32>
    %add3A_373 = arith.addi %iota3A_370, %add3A_372 : vector<16xi32>
    %gather3A_374 = tpu.vector_load_idx %arg13[%add3A_373, %broadcast_in_dim3A_17] : memref<512x16xi32, #tpu.memory_space<vmem>>[vector<16xi32>, vector<16xi32>], vector<16xi32>,
    %swap3A_375 = arith.constant 320 : index
    %swap3A_376 = tpu.vector_load %arg15[%swap3A_375] {strides = array<i32>} : memref<512xi32, #tpu.memory_space<vmem>>, vector<16xi32>,
    tpu.vector_store %arg15[%swap3A_375], %gather3A_374 {strides = array<i32>} : memref<512xi32, #tpu.memory_space<vmem>>, vector<16xi32>,
    %iota3A_377 = tpu.iota {dimensions = array<i32: 0>} : vector<16xi32>
    %add3A_378 = arith.constant 336 : i32
    %add3A_379 = vector.broadcast %add3A_378 : i32 to vector<16xi32>
    %add3A_380 = arith.addi %iota3A_377, %add3A_379 : vector<16xi32>
    %gather3A_381 = tpu.vector_load_idx %arg13[%add3A_380, %broadcast_in_dim3A_17] : memref<512x16xi32, #tpu.memory_space<vmem>>[vector<16xi32>, vector<16xi32>], vector<16xi32>,
    %swap3A_382 = arith.constant 336 : index
    %swap3A_383 = tpu.vector_load %arg15[%swap3A_382] {strides = array<i32>} : memref<512xi32, #tpu.memory_space<vmem>>, vector<16xi32>,
    tpu.vector_store %arg15[%swap3A_382], %gather3A_381 {strides = array<i32>} : memref<512xi32, #tpu.memory_space<vmem>>, vector<16xi32>,
    %iota3A_384 = tpu.iota {dimensions = array<i32: 0>} : vector<16xi32>
    %add3A_385 = arith.constant 352 : i32
    %add3A_386 = vector.broadcast %add3A_385 : i32 to vector<16xi32>
    %add3A_387 = arith.addi %iota3A_384, %add3A_386 : vector<16xi32>
    %gather3A_388 = tpu.vector_load_idx %arg13[%add3A_387, %broadcast_in_dim3A_17] : memref<512x16xi32, #tpu.memory_space<vmem>>[vector<16xi32>, vector<16xi32>], vector<16xi32>,
    %swap3A_389 = arith.constant 352 : index
    %swap3A_390 = tpu.vector_load %arg15[%swap3A_389] {strides = array<i32>} : memref<512xi32, #tpu.memory_space<vmem>>, vector<16xi32>,
    tpu.vector_store %arg15[%swap3A_389], %gather3A_388 {strides = array<i32>} : memref<512xi32, #tpu.memory_space<vmem>>, vector<16xi32>,
    %iota3A_391 = tpu.iota {dimensions = array<i32: 0>} : vector<16xi32>
    %add3A_392 = arith.constant 368 : i32
    %add3A_393 = vector.broadcast %add3A_392 : i32 to vector<16xi32>
    %add3A_394 = arith.addi %iota3A_391, %add3A_393 : vector<16xi32>
    %gather3A_395 = tpu.vector_load_idx %arg13[%add3A_394, %broadcast_in_dim3A_17] : memref<512x16xi32, #tpu.memory_space<vmem>>[vector<16xi32>, vector<16xi32>], vector<16xi32>,
    %swap3A_396 = arith.constant 368 : index
    %swap3A_397 = tpu.vector_load %arg15[%swap3A_396] {strides = array<i32>} : memref<512xi32, #tpu.memory_space<vmem>>, vector<16xi32>,
    tpu.vector_store %arg15[%swap3A_396], %gather3A_395 {strides = array<i32>} : memref<512xi32, #tpu.memory_space<vmem>>, vector<16xi32>,
    %iota3A_398 = tpu.iota {dimensions = array<i32: 0>} : vector<16xi32>
    %add3A_399 = arith.constant 384 : i32
    %add3A_400 = vector.broadcast %add3A_399 : i32 to vector<16xi32>
    %add3A_401 = arith.addi %iota3A_398, %add3A_400 : vector<16xi32>
    %gather3A_402 = tpu.vector_load_idx %arg13[%add3A_401, %broadcast_in_dim3A_17] : memref<512x16xi32, #tpu.memory_space<vmem>>[vector<16xi32>, vector<16xi32>], vector<16xi32>,
    %swap3A_403 = arith.constant 384 : index
    %swap3A_404 = tpu.vector_load %arg15[%swap3A_403] {strides = array<i32>} : memref<512xi32, #tpu.memory_space<vmem>>, vector<16xi32>,
    tpu.vector_store %arg15[%swap3A_403], %gather3A_402 {strides = array<i32>} : memref<512xi32, #tpu.memory_space<vmem>>, vector<16xi32>,
    %iota3A_405 = tpu.iota {dimensions = array<i32: 0>} : vector<16xi32>
    %add3A_406 = arith.constant 400 : i32
    %add3A_407 = vector.broadcast %add3A_406 : i32 to vector<16xi32>
    %add3A_408 = arith.addi %iota3A_405, %add3A_407 : vector<16xi32>
    %gather3A_409 = tpu.vector_load_idx %arg13[%add3A_408, %broadcast_in_dim3A_17] : memref<512x16xi32, #tpu.memory_space<vmem>>[vector<16xi32>, vector<16xi32>], vector<16xi32>,
    %swap3A_410 = arith.constant 400 : index
    %swap3A_411 = tpu.vector_load %arg15[%swap3A_410] {strides = array<i32>} : memref<512xi32, #tpu.memory_space<vmem>>, vector<16xi32>,
    tpu.vector_store %arg15[%swap3A_410], %gather3A_409 {strides = array<i32>} : memref<512xi32, #tpu.memory_space<vmem>>, vector<16xi32>,
    %iota3A_412 = tpu.iota {dimensions = array<i32: 0>} : vector<16xi32>
    %add3A_413 = arith.constant 416 : i32
    %add3A_414 = vector.broadcast %add3A_413 : i32 to vector<16xi32>
    %add3A_415 = arith.addi %iota3A_412, %add3A_414 : vector<16xi32>
    %gather3A_416 = tpu.vector_load_idx %arg13[%add3A_415, %broadcast_in_dim3A_17] : memref<512x16xi32, #tpu.memory_space<vmem>>[vector<16xi32>, vector<16xi32>], vector<16xi32>,
    %swap3A_417 = arith.constant 416 : index
    %swap3A_418 = tpu.vector_load %arg15[%swap3A_417] {strides = array<i32>} : memref<512xi32, #tpu.memory_space<vmem>>, vector<16xi32>,
    tpu.vector_store %arg15[%swap3A_417], %gather3A_416 {strides = array<i32>} : memref<512xi32, #tpu.memory_space<vmem>>, vector<16xi32>,
    %iota3A_419 = tpu.iota {dimensions = array<i32: 0>} : vector<16xi32>
    %add3A_420 = arith.constant 432 : i32
    %add3A_421 = vector.broadcast %add3A_420 : i32 to vector<16xi32>
    %add3A_422 = arith.addi %iota3A_419, %add3A_421 : vector<16xi32>
    %gather3A_423 = tpu.vector_load_idx %arg13[%add3A_422, %broadcast_in_dim3A_17] : memref<512x16xi32, #tpu.memory_space<vmem>>[vector<16xi32>, vector<16xi32>], vector<16xi32>,
    %swap3A_424 = arith.constant 432 : index
    %swap3A_425 = tpu.vector_load %arg15[%swap3A_424] {strides = array<i32>} : memref<512xi32, #tpu.memory_space<vmem>>, vector<16xi32>,
    tpu.vector_store %arg15[%swap3A_424], %gather3A_423 {strides = array<i32>} : memref<512xi32, #tpu.memory_space<vmem>>, vector<16xi32>,
    %iota3A_426 = tpu.iota {dimensions = array<i32: 0>} : vector<16xi32>
    %add3A_427 = arith.constant 448 : i32
    %add3A_428 = vector.broadcast %add3A_427 : i32 to vector<16xi32>
    %add3A_429 = arith.addi %iota3A_426, %add3A_428 : vector<16xi32>
    %gather3A_430 = tpu.vector_load_idx %arg13[%add3A_429, %broadcast_in_dim3A_17] : memref<512x16xi32, #tpu.memory_space<vmem>>[vector<16xi32>, vector<16xi32>], vector<16xi32>,
    %swap3A_431 = arith.constant 448 : index
    %swap3A_432 = tpu.vector_load %arg15[%swap3A_431] {strides = array<i32>} : memref<512xi32, #tpu.memory_space<vmem>>, vector<16xi32>,
    tpu.vector_store %arg15[%swap3A_431], %gather3A_430 {strides = array<i32>} : memref<512xi32, #tpu.memory_space<vmem>>, vector<16xi32>,
    %iota3A_433 = tpu.iota {dimensions = array<i32: 0>} : vector<16xi32>
    %add3A_434 = arith.constant 464 : i32
    %add3A_435 = vector.broadcast %add3A_434 : i32 to vector<16xi32>
    %add3A_436 = arith.addi %iota3A_433, %add3A_435 : vector<16xi32>
    %gather3A_437 = tpu.vector_load_idx %arg13[%add3A_436, %broadcast_in_dim3A_17] : memref<512x16xi32, #tpu.memory_space<vmem>>[vector<16xi32>, vector<16xi32>], vector<16xi32>,
    %swap3A_438 = arith.constant 464 : index
    %swap3A_439 = tpu.vector_load %arg15[%swap3A_438] {strides = array<i32>} : memref<512xi32, #tpu.memory_space<vmem>>, vector<16xi32>,
    tpu.vector_store %arg15[%swap3A_438], %gather3A_437 {strides = array<i32>} : memref<512xi32, #tpu.memory_space<vmem>>, vector<16xi32>,
    %iota3A_440 = tpu.iota {dimensions = array<i32: 0>} : vector<16xi32>
    %add3A_441 = arith.constant 480 : i32
    %add3A_442 = vector.broadcast %add3A_441 : i32 to vector<16xi32>
    %add3A_443 = arith.addi %iota3A_440, %add3A_442 : vector<16xi32>
    %gather3A_444 = tpu.vector_load_idx %arg13[%add3A_443, %broadcast_in_dim3A_17] : memref<512x16xi32, #tpu.memory_space<vmem>>[vector<16xi32>, vector<16xi32>], vector<16xi32>,
    %swap3A_445 = arith.constant 480 : index
    %swap3A_446 = tpu.vector_load %arg15[%swap3A_445] {strides = array<i32>} : memref<512xi32, #tpu.memory_space<vmem>>, vector<16xi32>,
    tpu.vector_store %arg15[%swap3A_445], %gather3A_444 {strides = array<i32>} : memref<512xi32, #tpu.memory_space<vmem>>, vector<16xi32>,
    %iota3A_447 = tpu.iota {dimensions = array<i32: 0>} : vector<16xi32>
    %add3A_448 = arith.constant 496 : i32
    %add3A_449 = vector.broadcast %add3A_448 : i32 to vector<16xi32>
    %add3A_450 = arith.addi %iota3A_447, %add3A_449 : vector<16xi32>
    %gather3A_451 = tpu.vector_load_idx %arg13[%add3A_450, %broadcast_in_dim3A_17] : memref<512x16xi32, #tpu.memory_space<vmem>>[vector<16xi32>, vector<16xi32>], vector<16xi32>,
    %swap3A_452 = arith.constant 496 : index
    %swap3A_453 = tpu.vector_load %arg15[%swap3A_452] {strides = array<i32>} : memref<512xi32, #tpu.memory_space<vmem>>, vector<16xi32>,
    tpu.vector_store %arg15[%swap3A_452], %gather3A_451 {strides = array<i32>} : memref<512xi32, #tpu.memory_space<vmem>>, vector<16xi32>,
    %dma_start3A_454 = arith.constant 0 : i32
    %dma_start3A_455 = tpu.memref_slice %arg5[%mul3A_2, %dma_start3A_454] : memref<16384x64xf32, #tpu.memory_space<hbm>> -> memref<512x64xf32, #tpu.memory_space<hbm>>
    %dma_start3A_456 = arith.constant 0 : i32
    %dma_start3A_457 = tpu.memref_slice %arg5[%mul3A_2, %dma_start3A_456] : memref<16384x64xf32, #tpu.memory_space<hbm>> -> memref<512x64xf32, #tpu.memory_space<hbm>>
    tpu.enqueue_dma source(%arg14 : memref<512x64xf32, #tpu.memory_space<vmem>>) target(%dma_start3A_457 : memref<512x64xf32, #tpu.memory_space<hbm>>) target_semaphore(%arg16 : memref<!tpu.dma_semaphore, #tpu.memory_space<semaphore_mem>>)
    %dma_start3A_458 = tpu.memref_slice %arg6[%mul3A_2] : memref<16384xi32, #tpu.memory_space<hbm>> -> memref<512xi32, #tpu.memory_space<hbm>>
    %dma_start3A_459 = tpu.memref_slice %arg6[%mul3A_2] : memref<16384xi32, #tpu.memory_space<hbm>> -> memref<512xi32, #tpu.memory_space<hbm>>
    tpu.enqueue_dma source(%arg15 : memref<512xi32, #tpu.memory_space<vmem>>) target(%dma_start3A_459 : memref<512xi32, #tpu.memory_space<hbm>>) target_semaphore(%arg16 : memref<!tpu.dma_semaphore, #tpu.memory_space<semaphore_mem>>)
    %dma_wait3A_460 = arith.constant 0 : i32
    %dma_wait3A_461 = tpu.memref_slice %arg5[%mul3A_2, %dma_wait3A_460] : memref<16384x64xf32, #tpu.memory_space<hbm>> -> memref<512x64xf32, #tpu.memory_space<hbm>>
    %dma_wait3A_462 = arith.constant 0 : i32
    %dma_wait3A_463 = tpu.memref_slice %arg5[%mul3A_2, %dma_wait3A_462] : memref<16384x64xf32, #tpu.memory_space<hbm>> -> memref<512x64xf32, #tpu.memory_space<hbm>>
    tpu.wait_dma2 semaphore(%arg16 : memref<!tpu.dma_semaphore, #tpu.memory_space<semaphore_mem>>) src(%arg14 : memref<512x64xf32, #tpu.memory_space<vmem>>) dst(%dma_wait3A_463 : memref<512x64xf32, #tpu.memory_space<hbm>>)
    %dma_wait3A_464 = tpu.memref_slice %arg6[%mul3A_2] : memref<16384xi32, #tpu.memory_space<hbm>> -> memref<512xi32, #tpu.memory_space<hbm>>
    %dma_wait3A_465 = tpu.memref_slice %arg6[%mul3A_2] : memref<16384xi32, #tpu.memory_space<hbm>> -> memref<512xi32, #tpu.memory_space<hbm>>
    tpu.wait_dma2 semaphore(%arg16 : memref<!tpu.dma_semaphore, #tpu.memory_space<semaphore_mem>>) src(%arg15 : memref<512xi32, #tpu.memory_space<vmem>>) dst(%dma_wait3A_465 : memref<512xi32, #tpu.memory_space<hbm>>)
    return
  }
}

</mosaic_0001>

<sc_bundles>
// kernel: kernel.3.cloned.1.call-start
scs
__scs_entry_jumppad:
0x0: {  	(pc) =	sbr.rel $0x88, $3  }
0x1: {  	(tag) =	ssettag $0x0;
	lr =	simm.s32 $0x1  }
0x2: {  	[smem:$0x3F9E] =	sst lr;
	_ =	strace $0xD0000000  }
0x3: {  	_ = 	snop  }
0x4: {  	_ = 	snop  }
0x5: {  	_ = 	snop  }
0x6: {  	_ = 	snop  }
0x7: {  	_ = 	snop  }
__scs_overlays_trampoline_lowered:
0x8: {  	[smem:$0x3FAD] =	sst s0  }
0x9: {  	[smem:$0x3FAE] =	sst s1  }
0xa: {  	[smem:$0x3FAF] =	sst s2  }
0xb: {  	[smem:$0x3FB0] =	sst s3  }
0xc: {  	[smem:$0x3FB1] =	sst s4  }
0xd: {  	[smem:$0x3FB2] =	sst s5  }
0xe: {  	[smem:$0x3FB3] =	sst s6  }
0xf: {  	[smem:$0x3FB4] =	sst s7  }
0x10: {  	[smem:$0x3FB5] =	sst s8  }
0x11: {  	[smem:$0x3FB6] =	sst s9;
	s0 =	simm.s32 @!p0 $0x0  }
0x12: {  	s1 =	sld [smem:$0x3F9C];
	s0 =	simm.s32 @p0 $0x1  }
0x13: {  	[smem:$0x3FB7] =	sst s0;
	s0 =	simm.s32 @!p1 $0x0  }
0x14: {  	s2 =	sld [smem:$0x3F9B];
	s0 =	simm.s32 @p1 $0x1  }
0x15: {  	[smem:$0x3FB8] =	sst s0;
	s0 =	simm.s32 @!p2 $0x0  }
0x16: {  	s3 =	sld [smem:$0x3FDB];
	s0 =	simm.s32 @p2 $0x1  }
0x17: {  	s4 =	simm.s32 $0x1BF5;
	[smem:$0x3FBA] =	sst s0  }
0x18: {  	s0 =	sld [smem:$0x3F9D];
	_ =	swait.ge [sflag:s4], $0x0  }
0x19: {  	s7 =	sld [smem:$0x3F9E]  }
0x1a: {  	s8 =	sadd.s32 $0xFFFFE003, lr  }
0x1b: {  	s9 =	sadd.s32 $0xFFFFFEF7, lr;
	s5 =	simm.s32 $0xFFFFFFFF;
	p2 =	slt.u32 s8, $0xFFFFF086  }
0x1c: {  	p1 =	slt.u32 s9, $0xF7A;
	s5 =	simm.s32 @!p2 $0x0  }
0x1d: {  	s5 =	simm.s32 @p1 $0x1;
	p0 =	seq.s32 s7, s2  }
0x1e: {  	s7 =	smul.u32 @!p0 $0xF7A, s2;
	p2 =	seq.s32 @!p0 s5, $0x0  }
0x1f: {  	s9 =	smul.u32 $0xF7A, s1;
	s8 =	simm.s32 @!p0 $0x1BF5;
	p2 =	por !p2, p0  }
0x20: {  	[sflag:s8] =	ssyncset.s32 @!p0 $0xFFFFF086;
	s6 =	sadd.s32 @!p0 s3, s7;
	s7 =	simm.s32 @!p0 $0x108  }
0x21: {  	s3 =	sadd.s32 s3, s9;
	s6 =	sadd.s32 @!p0 $0x88, s6;
	s7 =	simm.s32 @p2 $0x1082  }
0x22: {  	[simem:s7], [sflag:s8] =	dma.local @!p0 [hbm:s6], $0xF7A  }
0x23: {  	s9 =	sor.u32 $0xD0000000, s2;
	s6 =	simm.s32 $0x108;
	_ =	swait.ge @!p0 [sflag:s8], $0x0  }
0x24: {  	s3 =	sadd.s32 $0x88, s3;
	s6 =	simm.s32 @!p1 $0x1082;
	[sflag:s4] =	ssyncset.s32 $0xFFFFF086  }
0x25: {  	[simem:s6], [sflag:s4] =	dma.local [hbm:s3], $0xF7A  }
0x26: {  	[smem:$0x3F9E] =	sst s1;
	(tag) =	ssettag s2;
	_ =	strace s9  }
0x27: {  	s1 =	sld [smem:$0x3FAE]  }
0x28: {  	s2 =	sld [smem:$0x3FAF]  }
0x29: {  	s4 =	sld [smem:$0x3FB1]  }
0x2a: {  	p0 =	seq.s32 s5, $0x0;
	s5 =	sld [smem:$0x3FB2]  }
0x2b: {  	s6 =	sld [smem:$0x3FB3]  }
0x2c: {  	s7 =	sld [smem:$0x3FB4]  }
0x2d: {  	s3 =	simm.s32 $0x108;
	s8 =	sld [smem:$0x3FB5]  }
0x2e: {  	s3 =	simm.s32 @!p0 $0x1082;
	s9 =	sld [smem:$0x3FB6]  }
0x2f: {  	lr =	sadd.s32 s0, s3;
	s0 =	sld [smem:$0x3FAD]  }
0x30: {  	s3 =	sld [smem:$0x3FB0]  }
0x31: {  	[smem:$0x3FB9] =	sst s10  }
0x32: {  	s10 =	sld [smem:$0x3FB7];
	_ =	sdelay $0x3  }
0x33: {  	p0 =	seq.s32 s10, $0x1;
	s10 =	sld [smem:$0x3FB9];
	_ =	sdelay $0x3  }
0x34: {  	[smem:$0x3FB9] =	sst s10  }
0x35: {  	s10 =	sld [smem:$0x3FB8];
	_ =	sdelay $0x3  }
0x36: {  	p1 =	seq.s32 s10, $0x1;
	s10 =	sld [smem:$0x3FB9];
	_ =	sdelay $0x3  }
0x37: {  	[smem:$0x3FB9] =	sst s10  }
0x38: {  	s10 =	sld [smem:$0x3FBA]  }
0x39: {  	_ = 	snop;
	(pc) =	sbr.ind lr, $3  }
0x3a: {  	_ = 	snop  }
0x3b: {  	_ = 	snop  }
0x3c: {  	p2 =	seq.s32 s10, $0x1;
	s10 =	sld [smem:$0x3FB9]  }
0x3d: {  	_ =	shalt  }
0x3e: {  	_ =	shalt  }
0x3f: {  	_ =	shalt  }
0x40: {  	_ =	shalt  }
0x41: {  	_ =	shalt  }
0x42: {  	_ =	shalt  }
0x43: {  	_ =	shalt  }
0x44: {  	_ =	shalt  }
0x45: {  	_ =	shalt  }
0x46: {  	_ =	shalt  }
0x47: {  	_ =	shalt  }
0x48: {  	_ =	shalt  }
0x49: {  	_ =	shalt  }
0x4a: {  	_ =	shalt  }
0x4b: {  	_ =	shalt  }
0x4c: {  	_ =	shalt  }
0x4d: {  	_ =	shalt  }
0x4e: {  	_ =	shalt  }
0x4f: {  	_ =	shalt  }
0x50: {  	_ =	shalt  }
0x51: {  	_ =	shalt  }
0x52: {  	_ =	shalt  }
0x53: {  	_ =	shalt  }
0x54: {  	_ =	shalt  }
0x55: {  	_ =	shalt  }
0x56: {  	_ =	shalt  }
0x57: {  	_ =	shalt  }
0x58: {  	_ =	shalt  }
0x59: {  	_ =	shalt  }
0x5a: {  	_ =	shalt  }
0x5b: {  	_ =	shalt  }
0x5c: {  	_ =	shalt  }
0x5d: {  	_ =	shalt  }
0x5e: {  	_ =	shalt  }
0x5f: {  	_ =	shalt  }
0x60: {  	_ =	shalt  }
0x61: {  	_ =	shalt  }
0x62: {  	_ =	shalt  }
0x63: {  	_ =	shalt  }
0x64: {  	_ =	shalt  }
0x65: {  	_ =	shalt  }
0x66: {  	_ =	shalt  }
0x67: {  	_ =	shalt  }
0x68: {  	_ =	shalt  }
0x69: {  	_ =	shalt  }
0x6a: {  	_ =	shalt  }
0x6b: {  	_ =	shalt  }
0x6c: {  	_ =	shalt  }
0x6d: {  	_ =	shalt  }
0x6e: {  	_ =	shalt  }
0x6f: {  	_ =	shalt  }
0x70: {  	_ =	shalt  }
0x71: {  	_ =	shalt  }
0x72: {  	_ =	shalt  }
0x73: {  	_ =	shalt  }
0x74: {  	_ =	shalt  }
0x75: {  	_ =	shalt  }
0x76: {  	_ =	shalt  }
0x77: {  	_ =	shalt  }
0x78: {  	_ =	shalt  }
0x79: {  	_ =	shalt  }
0x7a: {  	_ =	shalt  }
0x7b: {  	_ =	shalt  }
0x7c: {  	_ =	shalt  }
0x7d: {  	_ =	shalt  }
0x7e: {  	_ =	shalt  }
0x7f: {  	_ =	shalt  }
0x80: {  	_ =	shalt  }
0x81: {  	_ =	shalt  }
0x82: {  	_ =	shalt  }
0x83: {  	_ =	shalt  }
0x84: {  	_ =	shalt  }
0x85: {  	_ =	shalt  }
0x86: {  	_ =	shalt  }
0x87: {  	_ =	shalt  }
.Lfunc_end0:
.L_simem_size_0:
called_computation_lowered:
.L_overlay_start_0:
0x88: {  	s2 =	sld [smem:$0x3FD9]  }
0x89: {  	s3 =	sld [smem:$0x3FFE];
	_ =	sdelay $0x1  }
0x8a: {  	s1 =	srdreg.scid  }
0x8b: {  	s0 =	sand.u32 $0x1, s1  }
0x8c: {  	s14 =	sshll.u32 s0, $0xA;
	s2 =	sadd.s32 s3, s2  }
0x8d: {  	s2 =	sadd.s32 s2, s14  }
0x8e: {  	[smem:$0x3FC5] =	sst s2  }
0x8f: {  	_ = 	snop  }
0x90: {  	s2 =	sld [smem:$0x3FD0];
	_ =	sdelay $0x1  }
0x91: {  	s15 =	sld [smem:$0x3FC8]  }
0x92: {  	s5 =	simm.s32 $0xA;
	s6 =	simm.s32 $0x10;
	s4 =	sld [smem:$0x3FC7]  }
0x93: {  	[smem:s6], [sflag:s5] =	dma.local [hbm:s2], $0x1  }
0x94: {  	_ =	swait.eq [sflag:s5], $0x1  }
0x95: {  	[sflag:s5] =	ssyncset.done $0x0  }
0x96: {  	s16 =	sld [smem:$0x10];
	[sflag:s5] =	ssyncadd.s32 $0xFFFFFFFF  }
0x97: {  	s17 =	sld [smem:$0x11];
	(tm) =	ssettm $0x1  }
0x98: {  	s18 =	sld [smem:$0x3FFB];
	_ =	sdelay $0x3  }
0x99: {  	_ =	strace s18  }
0x9a: {  	s6 =	sld [smem:$0x3FFC];
	_ =	sdelay $0x3  }
0x9b: {  	_ =	strace s6  }
0x9c: {  	s6 =	sld [smem:$0x3FFD];
	_ =	sdelay $0x3  }
0x9d: {  	_ =	strace s6  }
0x9e: {  	_ =	strace $0x8FFFFFFF  }
0x9f: {  	s19 =	sld [smem:$0x3FDB];
	_ =	sdelay $0x1  }
0xa0: {  	s7 =	simm.s32 $_scs_section_size  }
0xa1: {  	s8 =	simm.s32 $_size__tile_overlayer_lowered;
	s9 =	simm.s32 $_tile_overlayer_lowered  }
0xa2: {  	s22 =	simm.s32 $0x1BFF;
	s21 =	sshll.u32 s9, $0x1;
	s6 =	sadd.s32 s7, s19  }
0xa3: {  	s10 =	simm.s32 $0x0;
	s20 =	sshll.u32 s8, $0x1;
	s8 =	sadd.s32 s21, s6  }
0xa4: {  	[timem:s10], [sflag:s22] =	dma.local [hbm:s8], s20  }
0xa5: {  	_ =	swait.ge [sflag:s22], s20  }
0xa6: {  	s7 =	ssub.s32 $0x0, s20;
	[sflag:s22] =	ssyncset.done $0x0  }
0xa7: {  	[sflag:s22] =	ssyncadd.s32 s7;
	_ =	sdelay $0x1  }
0xa8: {  	s23 =	simm.s32 $0x1B8B  }
0xa9: {  	_ =	swait.ge [sflag:s23], $0x1  }
0xaa: {  	[sflag:s23] =	ssyncset.done $0x0  }
0xab: {  	s25 =	simm.s32 $0x1B8E;
	s24 =	sld [smem:$0x3FFE];
	[sflag:s23] =	ssyncadd.s32 $0xFFFFFFFF  }
0xac: {  	s26 =	simm.s32 $execute0_lowered;
	[smem:$0x3FD2] =	sst s25  }
0xad: {  	s8 =	sshll.u32 s26, $0x1;
	_ =	strace $0x80000046;
	[dreg:$0x1] =	wrdreg $0xFFFFFFFF  }
0xae: {  	s28 =	simm.s32 $_size_execute0_lowered;
	s6 =	sadd.s32 s6, s8;
	[dreg:$0x0] =	wrdreg $0x0  }
0xaf: {  	s8 =	sshll.u32 s28, $0x1;
	[dreg:$0x2] =	wrdreg s6  }
0xb0: {  	[dreg:$0x3] =	wrdreg s8  }
0xb1: {  	[dreg:$0x4] =	wrdreg $0xC0  }
0xb2: {  	_ =	task [dreg:s10], $0x5FFFF  }
0xb3: {  	[dreg:$0x1] =	wrdreg $0xFFFFFFFF  }
0xb4: {  	[dreg:$0x0] =	wrdreg $0x60  }
0xb5: {  	[dreg:$0x2] =	wrdreg s16  }
0xb6: {  	[dreg:$0x3] =	wrdreg s15  }
0xb7: {  	[dreg:$0x4] =	wrdreg s4  }
0xb8: {  	[dreg:$0x5] =	wrdreg s24  }
0xb9: {  	[dreg:$0x6] =	wrdreg s17  }
0xba: {  	[dreg:$0x7] =	wrdreg $0x9  }
0xbb: {  	_ =	task.clear_ibuf [dreg:s10], $0x8FFFF;
	_ =	strace $0x90000046  }
0xbc: {  	s29 =	simm.s32 $0x9;
	_ =	strace $0x80000048  }
0xbd: {  	_ =	swait.ge [sflag:s29], $0x1  }
0xbe: {  	[sflag:s29] =	ssyncadd.s32 $0xFFFFFFFF  }
0xbf: {  	_ =	strace $0x90000048  }
0xc0: {  	_ =	sfence  }
0xc1: {  	s30 =	sld [smem:$0x0];
	_ =	sdelay $0x2  }
0xc2: {  	s31 =	sshll.u32 s1, $0xD;
	s1 =	sshrl.u32 s1, $0x2  }
0xc3: {  	s3 =	sand.u32 $0x4000, s31;
	s1 =	sadd.s32 s1, s30  }
0xc4: {  	s0 =	sor.u32 s3, s0;
	s1 =	sshll.u32 s1, $0x11  }
0xc5: {  	s0 =	sor.u32 s1, s0  }
0xc6: {  	s0 =	sadd.s32 $0x8F2B, s0  }
0xc7: {  	[sflag:s0] =	ssyncadd.remote.s32 $0x1  }
0xc8: {  	_ =	sfence.sel $0xFFFF  }
0xc9: {  	[dreg:$0x0] =	wrdreg $0xFFFFFFFF;
	(pc) =	sbr.abs _section_cstart, $3  }
0xca: {  	[dreg:$0x1] =	wrdreg $0xFFFFFFFF  }
0xcb: {  	_ =	task.clear_ibuf [dreg:s10], $0x2FFFF;
	_ =	strace $0x9FFFFFFF  }
0xcc: {  	(tm) =	ssettm $0x7FFFFFFF  }
0xcd: {  	_ =	shalt  }
tec
execute0_lowered:
.L_overlay_start_1:
0x0: {  	(tag) =	ssettag $0x1  }
0x1: {  	s6 =	rddreg [dreg:$0x0];
	v0 =	vlaneseq.u32  }
0x2: {  	s7 =	rddreg [dreg:$0x1];
	v0 =	vmul.u32 $0x10, v0  }
0x3: {  	s5 =	rddreg [dreg:$0x2];
	s1 =	srdreg.scid  }
0x4: {  	s4 =	rddreg [dreg:$0x3];
	s0 =	stileid.u32;
	v1 =	vor.u32 $0x100, v0  }
0x5: {  	s9 =	rddreg [dreg:$0x4];
	s2 =	simm.s32 $0x0;
	s15 =	simm.s32 $0xC400;
	v2 =	vor.u32 $0x200, v0;
	v3 =	vor.u32 $0x300, v0;
	v4 =	vor.u32 $0x400, v0  }
0x6: {  	s16 =	simm.s32 $0xA400;
	s3 =	sand.u32 $0x1, s1;
	s1 =	rddreg [dreg:$0x5];
	v5 =	vor.u32 $0x500, v0;
	v6 =	vor.u32 $0x600, v0;
	v7 =	vor.u32 $0x700, v0  }
0x7: {  	s17 =	simm.s32 $0x14400;
	s10 =	sshll.u32 s0, $0x9;
	[smem:$0x7FF] =	sst s2;
	v8 =	vor.u32 $0x800, v0;
	v9 =	vor.u32 $0x900, v0;
	v10 =	vor.u32 $0xA00, v0  }
0x8: {  	s8 =	sshll.u32 s3, $0xD;
	_ =	strace $0x80000047;
	s12 =	ssub.s32 $0x2, s3;
	v11 =	vor.u32 $0xB00, v0;
	v12 =	vor.u32 $0xC00, v0;
	v13 =	vor.u32 $0xD00, v0  }
0x9: {  	s3 =	sadd.s32 $0x800, s4;
	s8 =	sor.u32 s10, s8;
	s13 =	sshrl.u32 s12, $0x1;
	v14 =	vor.u32 $0xE00, v0;
	v15 =	vor.u32 $0xF00, v0;
	v16 =	vor.u32 $0x1000, v0  }
0xa: {  	v17 =	vor.u32 $0x1100, v0;
	v18 =	vor.u32 $0x1200, v0;
	v19 =	vor.u32 $0x1300, v0;
	s10 =	sshll.u32 s8, $0x3;
	s14 =	sshrl.u32 s8, $0x3;
	s12 =	ssub.s32 s12, s13  }
0xb: {  	v20 =	vor.u32 $0x1400, v0;
	v21 =	vor.u32 $0x1500, v0;
	v22 =	vor.u32 $0x1600, v0;
	s13 =	simm.s32 $0x1;
	s11 =	sadd.s32 s10, s4;
	s4 =	sadd.s32 $0x80800, s4  }
0xc: {  	v23 =	vor.u32 $0x1700, v0;
	v24 =	vor.u32 $0x1800, v0;
	v25 =	vor.u32 $0x1900, v0;
	s5 =	sadd.s32 s5, s14;
	s6 =	sadd.s32 s6, s10;
	s7 =	sadd.s32 s7, s14  }
0xd: {  	v26 =	vor.u32 $0x1A00, v0;
	v27 =	vor.u32 $0x1B00, v0;
	v28 =	vor.u32 $0x1C00, v0;
	s9 =	sadd.s32 s9, s14;
	s10 =	smax.u32 s12, $0x1;
	s12 =	simm.s32 $0x8200  }
0xe: {  	v29 =	vor.u32 $0x1D00, v0;
	v30 =	vor.u32 $0x1E00, v0;
	v31 =	vor.u32 $0x1F00, v0;
	s14 =	simm.s32 $0x8400;
	s8 =	sadd.s32 $0xA0800, s11;
	s11 =	simm.s32 $0x200  }
.LBB2_1:
0xf: {  	[tilespmem:s2], [sflag:$0x1] =	stream.linear.gather [hbm4b:s5+s2], $0x200, $0x38;
	[tilespmem:$0x14600] =	vst v63  }
0x10: {  	_ = 	snop  }
0x11: {  	[tilespmem:s11], [sflag:$0x1] =	stream.linear.gather [hbm4b:s6+s2], $0x8000, $0x38;
	[tilespmem:$0x14600] =	vst v63  }
0x12: {  	_ = 	snop  }
0x13: {  	[tilespmem:s12], [sflag:$0x1] =	stream.linear.gather [hbm4b:s7+s2], $0x200, $0x38;
	[tilespmem:$0x14600] =	vst v63  }
0x14: {  	_ =	swait.ge [sflag:s13], $0x200  }
0x15: {  	[sflag:s13] =	ssyncset.done $0x0  }
0x16: {  	[sflag:s13] =	ssyncadd.s32 $0xFFFFFE00  }
0x17: {  	_ =	swait.ge [sflag:s13], $0x8000  }
0x18: {  	[sflag:s13] =	ssyncset.done $0x0  }
0x19: {  	[sflag:s13] =	ssyncadd.s32 $0xFFFF8000  }
0x1a: {  	_ =	swait.ge [sflag:s13], $0x200  }
0x1b: {  	[sflag:s13] =	ssyncset.done $0x0  }
0x1c: {  	[sflag:s13] =	ssyncadd.s32 $0xFFFFFE00  }
0x1d: {  	v32 =	vld [tilespmem:$0x8200];
	_ =	sdelay $0x4  }
0x1e: {  	[tilespmem:v0+s14+$0x0] =	vst.idx.msk $0xffff, v32  }
0x1f: {  	v32 =	vld [tilespmem:$0x8210];
	_ =	sdelay $0x4  }
0x20: {  	[tilespmem:v1+s14+$0x0] =	vst.idx.msk $0xffff, v32  }
0x21: {  	v32 =	vld [tilespmem:$0x8220];
	_ =	sdelay $0x4  }
0x22: {  	[tilespmem:v2+s14+$0x0] =	vst.idx.msk $0xffff, v32  }
0x23: {  	v32 =	vld [tilespmem:$0x8230];
	_ =	sdelay $0x4  }
0x24: {  	[tilespmem:v3+s14+$0x0] =	vst.idx.msk $0xffff, v32  }
0x25: {  	v32 =	vld [tilespmem:$0x8240];
	_ =	sdelay $0x4  }
0x26: {  	[tilespmem:v4+s14+$0x0] =	vst.idx.msk $0xffff, v32  }
0x27: {  	v32 =	vld [tilespmem:$0x8250];
	_ =	sdelay $0x4  }
0x28: {  	[tilespmem:v5+s14+$0x0] =	vst.idx.msk $0xffff, v32  }
0x29: {  	v32 =	vld [tilespmem:$0x8260];
	_ =	sdelay $0x4  }
0x2a: {  	[tilespmem:v6+s14+$0x0] =	vst.idx.msk $0xffff, v32  }
0x2b: {  	v32 =	vld [tilespmem:$0x8270];
	_ =	sdelay $0x4  }
0x2c: {  	[tilespmem:v7+s14+$0x0] =	vst.idx.msk $0xffff, v32  }
0x2d: {  	v32 =	vld [tilespmem:$0x8280];
	_ =	sdelay $0x4  }
0x2e: {  	[tilespmem:v8+s14+$0x0] =	vst.idx.msk $0xffff, v32  }
0x2f: {  	v32 =	vld [tilespmem:$0x8290];
	_ =	sdelay $0x4  }
0x30: {  	[tilespmem:v9+s14+$0x0] =	vst.idx.msk $0xffff, v32  }
0x31: {  	v32 =	vld [tilespmem:$0x82A0];
	_ =	sdelay $0x4  }
0x32: {  	[tilespmem:v10+s14+$0x0] =	vst.idx.msk $0xffff, v32  }
0x33: {  	v32 =	vld [tilespmem:$0x82B0];
	_ =	sdelay $0x4  }
0x34: {  	[tilespmem:v11+s14+$0x0] =	vst.idx.msk $0xffff, v32  }
0x35: {  	v32 =	vld [tilespmem:$0x82C0];
	_ =	sdelay $0x4  }
0x36: {  	[tilespmem:v12+s14+$0x0] =	vst.idx.msk $0xffff, v32  }
0x37: {  	v32 =	vld [tilespmem:$0x82D0];
	_ =	sdelay $0x4  }
0x38: {  	[tilespmem:v13+s14+$0x0] =	vst.idx.msk $0xffff, v32  }
0x39: {  	v32 =	vld [tilespmem:$0x82E0];
	_ =	sdelay $0x4  }
0x3a: {  	[tilespmem:v14+s14+$0x0] =	vst.idx.msk $0xffff, v32  }
0x3b: {  	v32 =	vld [tilespmem:$0x82F0];
	_ =	sdelay $0x4  }
0x3c: {  	[tilespmem:v15+s14+$0x0] =	vst.idx.msk $0xffff, v32  }
0x3d: {  	v32 =	vld [tilespmem:$0x8300];
	_ =	sdelay $0x4  }
0x3e: {  	[tilespmem:v16+s14+$0x0] =	vst.idx.msk $0xffff, v32  }
0x3f: {  	v32 =	vld [tilespmem:$0x8310];
	_ =	sdelay $0x4  }
0x40: {  	[tilespmem:v17+s14+$0x0] =	vst.idx.msk $0xffff, v32  }
0x41: {  	v32 =	vld [tilespmem:$0x8320];
	_ =	sdelay $0x4  }
0x42: {  	[tilespmem:v18+s14+$0x0] =	vst.idx.msk $0xffff, v32  }
0x43: {  	v32 =	vld [tilespmem:$0x8330];
	_ =	sdelay $0x4  }
0x44: {  	[tilespmem:v19+s14+$0x0] =	vst.idx.msk $0xffff, v32  }
0x45: {  	v32 =	vld [tilespmem:$0x8340];
	_ =	sdelay $0x4  }
0x46: {  	[tilespmem:v20+s14+$0x0] =	vst.idx.msk $0xffff, v32  }
0x47: {  	v32 =	vld [tilespmem:$0x8350];
	_ =	sdelay $0x4  }
0x48: {  	[tilespmem:v21+s14+$0x0] =	vst.idx.msk $0xffff, v32  }
0x49: {  	v32 =	vld [tilespmem:$0x8360];
	_ =	sdelay $0x4  }
0x4a: {  	[tilespmem:v22+s14+$0x0] =	vst.idx.msk $0xffff, v32  }
0x4b: {  	v32 =	vld [tilespmem:$0x8370];
	_ =	sdelay $0x4  }
0x4c: {  	[tilespmem:v23+s14+$0x0] =	vst.idx.msk $0xffff, v32  }
0x4d: {  	v32 =	vld [tilespmem:$0x8380];
	_ =	sdelay $0x4  }
0x4e: {  	[tilespmem:v24+s14+$0x0] =	vst.idx.msk $0xffff, v32  }
0x4f: {  	v32 =	vld [tilespmem:$0x8390];
	_ =	sdelay $0x4  }
0x50: {  	[tilespmem:v25+s14+$0x0] =	vst.idx.msk $0xffff, v32  }
0x51: {  	v32 =	vld [tilespmem:$0x83A0];
	_ =	sdelay $0x4  }
0x52: {  	[tilespmem:v26+s14+$0x0] =	vst.idx.msk $0xffff, v32  }
0x53: {  	v32 =	vld [tilespmem:$0x83B0];
	_ =	sdelay $0x4  }
0x54: {  	[tilespmem:v27+s14+$0x0] =	vst.idx.msk $0xffff, v32  }
0x55: {  	v32 =	vld [tilespmem:$0x83C0];
	_ =	sdelay $0x4  }
0x56: {  	[tilespmem:v28+s14+$0x0] =	vst.idx.msk $0xffff, v32  }
0x57: {  	v32 =	vld [tilespmem:$0x83D0];
	_ =	sdelay $0x4  }
0x58: {  	[tilespmem:v29+s14+$0x0] =	vst.idx.msk $0xffff, v32  }
0x59: {  	v32 =	vld [tilespmem:$0x83E0];
	_ =	sdelay $0x4  }
0x5a: {  	[tilespmem:v30+s14+$0x0] =	vst.idx.msk $0xffff, v32  }
0x5b: {  	v32 =	vld [tilespmem:$0x83F0];
	_ =	sdelay $0x4  }
0x5c: {  	[tilespmem:v31+s14+$0x0] =	vst.idx.msk $0xffff, v32  }
0x5d: {  	[hbm4b:s3+s11] =	stream.indirect.scatter [tilespmem:s11], [sflag:$0x1], $0x40, s2, s11, $0xb8;
	[tilespmem:$0x14600] =	vst v63  }
0x5e: {  	_ = 	snop  }
0x5f: {  	[hbm4b:s4+s11] =	stream.indirect.scatter [tilespmem:s14], [sflag:$0x1], $0x10, s2, s11, $0xb8;
	[tilespmem:$0x14600] =	vst v63  }
0x60: {  	_ =	swait.ge [sflag:s13], $0x8000  }
0x61: {  	[sflag:s13] =	ssyncset.done $0x0  }
0x62: {  	[sflag:s13] =	ssyncadd.s32 $0xFFFF8000  }
0x63: {  	_ =	swait.ge [sflag:s13], $0x2000  }
0x64: {  	[sflag:s13] =	ssyncset.done $0x0  }
0x65: {  	[sflag:s13] =	ssyncadd.s32 $0xFFFFE000  }
0x66: {  	[tilespmem:s15], [sflag:$0x1] =	stream.indirect.gather [hbm4b:s3+s11], $0x40, s2, s11, $0xb8;
	[tilespmem:$0x14600] =	vst v63  }
0x67: {  	_ = 	snop  }
0x68: {  	[tilespmem:s16], [sflag:$0x1] =	stream.indirect.gather [hbm4b:s4+s11], $0x10, s2, s11, $0xb8;
	[tilespmem:$0x14600] =	vst v63  }
0x69: {  	_ =	swait.ge [sflag:s13], $0x8000  }
0x6a: {  	[sflag:s13] =	ssyncset.done $0x0  }
0x6b: {  	[sflag:s13] =	ssyncadd.s32 $0xFFFF8000  }
0x6c: {  	_ =	swait.ge [sflag:s13], $0x2000  }
0x6d: {  	[sflag:s13] =	ssyncset.done $0x0  }
0x6e: {  	[sflag:s13] =	ssyncadd.s32 $0xFFFFE000  }
0x6f: {  	v63 =	vld.idx.msk [tilespmem:v0+s16+$0x0], $0xffff;
	_ =	sdelay $0x4  }
0x70: {  	[tilespmem:$0x14400] =	vst v63  }
0x71: {  	v32 =	vld.idx.msk [tilespmem:v1+s16+$0x0], $0xffff;
	_ =	sdelay $0x4  }
0x72: {  	[tilespmem:$0x14410] =	vst v32  }
0x73: {  	v32 =	vld.idx.msk [tilespmem:v2+s16+$0x0], $0xffff;
	_ =	sdelay $0x4  }
0x74: {  	[tilespmem:$0x14420] =	vst v32  }
0x75: {  	v32 =	vld.idx.msk [tilespmem:v3+s16+$0x0], $0xffff;
	_ =	sdelay $0x4  }
0x76: {  	[tilespmem:$0x14430] =	vst v32  }
0x77: {  	v32 =	vld.idx.msk [tilespmem:v4+s16+$0x0], $0xffff;
	_ =	sdelay $0x4  }
0x78: {  	[tilespmem:$0x14440] =	vst v32  }
0x79: {  	v32 =	vld.idx.msk [tilespmem:v5+s16+$0x0], $0xffff;
	_ =	sdelay $0x4  }
0x7a: {  	[tilespmem:$0x14450] =	vst v32  }
0x7b: {  	v32 =	vld.idx.msk [tilespmem:v6+s16+$0x0], $0xffff;
	_ =	sdelay $0x4  }
0x7c: {  	[tilespmem:$0x14460] =	vst v32  }
0x7d: {  	v32 =	vld.idx.msk [tilespmem:v7+s16+$0x0], $0xffff;
	_ =	sdelay $0x4  }
0x7e: {  	[tilespmem:$0x14470] =	vst v32  }
0x7f: {  	v32 =	vld.idx.msk [tilespmem:v8+s16+$0x0], $0xffff;
	_ =	sdelay $0x4  }
0x80: {  	[tilespmem:$0x14480] =	vst v32  }
0x81: {  	v32 =	vld.idx.msk [tilespmem:v9+s16+$0x0], $0xffff;
	_ =	sdelay $0x4  }
0x82: {  	[tilespmem:$0x14490] =	vst v32  }
0x83: {  	v32 =	vld.idx.msk [tilespmem:v10+s16+$0x0], $0xffff;
	_ =	sdelay $0x4  }
0x84: {  	[tilespmem:$0x144A0] =	vst v32  }
0x85: {  	v32 =	vld.idx.msk [tilespmem:v11+s16+$0x0], $0xffff;
	_ =	sdelay $0x4  }
0x86: {  	[tilespmem:$0x144B0] =	vst v32  }
0x87: {  	v32 =	vld.idx.msk [tilespmem:v12+s16+$0x0], $0xffff;
	_ =	sdelay $0x4  }
0x88: {  	[tilespmem:$0x144C0] =	vst v32  }
0x89: {  	v32 =	vld.idx.msk [tilespmem:v13+s16+$0x0], $0xffff;
	_ =	sdelay $0x4  }
0x8a: {  	[tilespmem:$0x144D0] =	vst v32  }
0x8b: {  	v32 =	vld.idx.msk [tilespmem:v14+s16+$0x0], $0xffff;
	_ =	sdelay $0x4  }
0x8c: {  	[tilespmem:$0x144E0] =	vst v32  }
0x8d: {  	v32 =	vld.idx.msk [tilespmem:v15+s16+$0x0], $0xffff;
	_ =	sdelay $0x4  }
0x8e: {  	[tilespmem:$0x144F0] =	vst v32  }
0x8f: {  	v32 =	vld.idx.msk [tilespmem:v16+s16+$0x0], $0xffff;
	_ =	sdelay $0x4  }
0x90: {  	[tilespmem:$0x14500] =	vst v32  }
0x91: {  	v32 =	vld.idx.msk [tilespmem:v17+s16+$0x0], $0xffff;
	_ =	sdelay $0x4  }
0x92: {  	[tilespmem:$0x14510] =	vst v32  }
0x93: {  	v32 =	vld.idx.msk [tilespmem:v18+s16+$0x0], $0xffff;
	_ =	sdelay $0x4  }
0x94: {  	[tilespmem:$0x14520] =	vst v32  }
0x95: {  	v32 =	vld.idx.msk [tilespmem:v19+s16+$0x0], $0xffff;
	_ =	sdelay $0x4  }
0x96: {  	[tilespmem:$0x14530] =	vst v32  }
0x97: {  	v32 =	vld.idx.msk [tilespmem:v20+s16+$0x0], $0xffff;
	_ =	sdelay $0x4  }
0x98: {  	[tilespmem:$0x14540] =	vst v32  }
0x99: {  	v32 =	vld.idx.msk [tilespmem:v21+s16+$0x0], $0xffff;
	_ =	sdelay $0x4  }
0x9a: {  	[tilespmem:$0x14550] =	vst v32  }
0x9b: {  	v32 =	vld.idx.msk [tilespmem:v22+s16+$0x0], $0xffff;
	_ =	sdelay $0x4  }
0x9c: {  	[tilespmem:$0x14560] =	vst v32  }
0x9d: {  	v32 =	vld.idx.msk [tilespmem:v23+s16+$0x0], $0xffff;
	_ =	sdelay $0x4  }
0x9e: {  	[tilespmem:$0x14570] =	vst v32  }
0x9f: {  	v32 =	vld.idx.msk [tilespmem:v24+s16+$0x0], $0xffff;
	_ =	sdelay $0x4  }
0xa0: {  	[tilespmem:$0x14580] =	vst v32  }
0xa1: {  	v32 =	vld.idx.msk [tilespmem:v25+s16+$0x0], $0xffff;
	_ =	sdelay $0x4  }
0xa2: {  	[tilespmem:$0x14590] =	vst v32  }
0xa3: {  	v32 =	vld.idx.msk [tilespmem:v26+s16+$0x0], $0xffff;
	_ =	sdelay $0x4  }
0xa4: {  	[tilespmem:$0x145A0] =	vst v32  }
0xa5: {  	v32 =	vld.idx.msk [tilespmem:v27+s16+$0x0], $0xffff;
	_ =	sdelay $0x4  }
0xa6: {  	[tilespmem:$0x145B0] =	vst v32  }
0xa7: {  	v32 =	vld.idx.msk [tilespmem:v28+s16+$0x0], $0xffff;
	_ =	sdelay $0x4  }
0xa8: {  	[tilespmem:$0x145C0] =	vst v32  }
0xa9: {  	v32 =	vld.idx.msk [tilespmem:v29+s16+$0x0], $0xffff;
	_ =	sdelay $0x4  }
0xaa: {  	[tilespmem:$0x145D0] =	vst v32  }
0xab: {  	v32 =	vld.idx.msk [tilespmem:v30+s16+$0x0], $0xffff;
	_ =	sdelay $0x4  }
0xac: {  	[tilespmem:$0x145E0] =	vst v32  }
0xad: {  	v32 =	vld.idx.msk [tilespmem:v31+s16+$0x0], $0xffff;
	_ =	sdelay $0x4  }
0xae: {  	[tilespmem:$0x145F0] =	vst v32  }
0xaf: {  	[hbm4b:s8+s2] =	stream.linear.scatter [tilespmem:s15], [sflag:$0x1], $0x8000, $0x38;
	[tilespmem:$0x14600] =	vst v63  }
0xb0: {  	_ = 	snop  }
0xb1: {  	[hbm4b:s9+s2] =	stream.linear.scatter [tilespmem:s17], [sflag:$0x1], $0x200, $0x38;
	[tilespmem:$0x14600] =	vst v63  }
0xb2: {  	p0 =	sne.s32 s10, $0x1;
	_ =	swait.ge [sflag:s13], $0x8000  }
.Ltmp0:
0xb3: {  	[sflag:s13] =	ssyncset.done $0x0;
	(pc) =	sbr.rel @p0 .LBB2_1-.Ltmp0, $4  }
0xb4: {  	[sflag:s13] =	ssyncadd.s32 $0xFFFF8000  }
0xb5: {  	_ =	swait.ge [sflag:s13], $0x200  }
0xb6: {  	[sflag:s13] =	ssyncset.done $0x0  }
0xb7: {  	s10 =	sadd.s32 $0xFFFFFFFF, s10;
	[sflag:s13] =	ssyncadd.s32 $0xFFFFFE00  }
0xb8: {  	_ =	sfence.sel $0x180000  }
0xb9: {  	[bflag:$0x0] =	sbarrier.arrive $0xFFFF  }
0xba: {  	p0 =	sne.s32 s0, $0x0;
	_ =	strace $0x90000047  }
0xbb: {  	s0 =	sadd.s32 @!p0 $0x100000, s1;
	[bflag:$0x2] =	sbarrier.arrive $0xFFFF  }
0xbc: {  	[sflag:s0] =	ssyncadd.tile.s32 @!p0 $0x1;
	_ =	shalt  }
.Lfunc_end2:
_tile_overlayer_lowered:
.L_overlay_start_2:
0xbd: {  	(tag) =	ssettag $0x2  }
0xbe: {  	s0 =	rddreg [dreg:$0x0];
	s2 =	stileid.u32  }
0xbf: {  	s1 =	rddreg [dreg:$0x1];
	p0 =	sne.s32 s2, $0x0  }
0xc0: {  	s3 =	rddreg [dreg:$0x2];
	[bflag:$0x3] =	sbarrier.arrive $0xFFFF;
	s2 =	simm.s32 @!p0 $0x1C02  }
0xc1: {  	[timem:s3], [sflag:s2] =	dma.local @!p0 [hbm:s0], s1  }
0xc2: {  	s0 =	simm.s32 @!p0 $0x2  }
0xc3: {  	_ =	swait.ge @!p0 [sflag:s0], s1  }
0xc4: {  	s1 =	ssub.s32 @!p0 $0x0, s1;
	[sflag:s0] =	ssyncset.done @!p0 $0x0  }
0xc5: {  	[sflag:s0] =	ssyncadd.s32 @!p0 s1  }
0xc6: {  	[bflag:$0x3] =	sbarrier.arrive $0xFFFF  }
0xc7: {  	_ =	shalt  }

</sc_bundles>
